<compile_context>
chip_gen: v7x
topology: tpu7x:2x2x1
jax: 0.10.2.dev20260603
libtpu: 0.0.44.dev20260713+nightly
codegen_flags: <defaults>
</compile_context>

<pallas_src>
import functools

import numpy as np
import jax
import jax.numpy as jnp
from jax import lax
from jax.experimental import pallas as pl
from jax.experimental.pallas import tpu as pltpu
from jax.experimental.pallas import tpu_sc as plsc

EPS = 1e-5


def _node_mm_body(x_ref, w_ref, b0_ref, ya_ref, yb_ref):
    d = x_ref.shape[1]
    xv = x_ref[...]
    ya_ref[...] = jnp.dot(xv, w_ref[:d, :], preferred_element_type=jnp.float32, precision=lax.Precision.HIGHEST)
    yb_ref[...] = (
        jnp.dot(xv, w_ref[d:, :], preferred_element_type=jnp.float32, precision=lax.Precision.HIGHEST)
        + b0_ref[...]
    )


def _node_mm(x, w0, b0):
    n, _ = x.shape
    h = w0.shape[1]
    out = jax.ShapeDtypeStruct((n, h), jnp.float32)
    return pl.pallas_call(
        _node_mm_body,
        out_shape=(out, out),
    )(x, w0, b0.reshape(1, h))


def _make_gather(rows_total, chunk, h, nc, ns):
    nw = nc * ns
    iters = (rows_total + nw - 1) // nw
    mesh = plsc.VectorSubcoreMesh(core_axis_name="c", subcore_axis_name="s")

    pairs = (iters + 1) // 2

    @functools.partial(
        pl.kernel,
        out_type=jax.ShapeDtypeStruct((rows_total, chunk, h), jnp.float32),
        mesh=mesh,
        scratch_types=[
            pltpu.VMEM((chunk,), jnp.int32),
            pltpu.VMEM((chunk,), jnp.int32),
            pltpu.VMEM((chunk,), jnp.int32),
            pltpu.VMEM((chunk,), jnp.int32),
            pltpu.VMEM((chunk, h), jnp.float32),
            pltpu.VMEM((chunk, h), jnp.float32),
            pltpu.SemaphoreType.DMA,
            pltpu.SemaphoreType.DMA,
            pltpu.SemaphoreType.DMA,
            pltpu.SemaphoreType.DMA,
        ],
        compiler_params=pltpu.CompilerParams(use_tc_tiling_on_sc=False),
    )
    def gather_kernel(ya_hbm, yb_hbm, s_hbm, e_hbm, g_hbm,
                      idxs0, idxs1, idxe0, idxe1, rows0, rows1,
                      sem_i, sem_g, sem_w0, sem_w1):
        wid = lax.axis_index("s") * nc + lax.axis_index("c")
        bufs = ((idxs0, idxe0, rows0, sem_w0), (idxs1, idxe1, rows1, sem_w1))

        def pair_body(jj, carry):
            for k in range(2):
                idx_s, idx_e, rows, sem_w = bufs[k]
                row = wid + nw * (2 * jj + k)

                @pl.when(row < rows_total)
                def _():
                    ca = pltpu.async_copy(s_hbm.at[row], idx_s, sem_i)
                    cb = pltpu.async_copy(e_hbm.at[row], idx_e, sem_i)

                    @pl.when(jj > 0)
                    def _():
                        pltpu.make_async_copy(g_hbm.at[0], rows, sem_w).wait()

                    ca.wait()
                    cb.wait()
                    pltpu.async_copy(ya_hbm.at[idx_s], rows, sem_g).wait()
                    pltpu.async_copy(yb_hbm.at[idx_e], rows, sem_g, add=True).wait()
                    pltpu.async_copy(rows, g_hbm.at[row], sem_w)

            return carry

        lax.fori_loop(0, pairs, pair_body, 0)
        pltpu.make_async_copy(g_hbm.at[0], rows0, sem_w0).wait()
        pltpu.make_async_copy(g_hbm.at[0], rows1, sem_w1).wait()

    return gather_kernel


def _halfsum(a, mask):
    return jnp.dot(a, mask, preferred_element_type=jnp.float32)


def _bcast_halves(m, h):
    return jnp.concatenate(
        [jnp.broadcast_to(m[:, 0:1], (m.shape[0], h)),
         jnp.broadcast_to(m[:, 1:2], (m.shape[0], h))],
        axis=1,
    )


def _layer_norm_packed(hv, mask, lnw, lnb):
    h = mask.shape[0] // 2
    m = _halfsum(hv, mask) * (1.0 / h)
    d = hv - _bcast_halves(m, h)
    v = _halfsum(d * d, mask) * (1.0 / h)
    rs = 1.0 / jnp.sqrt(v + EPS)
    return d * _bcast_halves(rs, h) * lnw + lnb


def _stats_body(g_ref, mask_ref, lnw_ref, lnb_ref, o_ref):
    i = pl.program_id(0)
    hln = _layer_norm_packed(g_ref[...], mask_ref[...], lnw_ref[...], lnb_ref[...])
    blk = jnp.stack([jnp.sum(hln, axis=0), jnp.sum(hln * hln, axis=0)])

    @pl.when(i == 0)
    def _():
        o_ref[...] = blk

    @pl.when(i > 0)
    def _():
        o_ref[...] += blk


def _stats(g2, mask, lnw2, lnb2, blk_rows):
    r, h2 = g2.shape
    nb = r // blk_rows
    full = lambda i: (0, 0)
    return pl.pallas_call(
        _stats_body,
        grid=(nb,),
        in_specs=[
            pl.BlockSpec((blk_rows, h2), lambda i: (i, 0)),
            pl.BlockSpec((h2, 2), full),
            pl.BlockSpec((1, h2), full),
            pl.BlockSpec((1, h2), full),
        ],
        out_specs=pl.BlockSpec((2, h2), full),
        out_shape=jax.ShapeDtypeStruct((2, h2), jnp.float32),
    )(g2, mask, lnw2, lnb2)


def _make_apply_body(n_edges):
    inv_e = 1.0 / float(n_edges)

    def _apply_body(g_ref, stats_ref, mask_ref, lnw_ref, lnb_ref,
                    bnw_ref, bnb_ref, w1_ref, b1_ref, o_ref):
        hln = _layer_norm_packed(g_ref[...], mask_ref[...], lnw_ref[...],
                                 lnb_ref[...])

        st = stats_ref[...]
        h = mask_ref.shape[0] // 2
        tot = st + jnp.concatenate([st[:, h:], st[:, :h]], axis=1)
        bmean = tot[0:1, :] * inv_e
        bvar = tot[1:2, :] * inv_e - bmean * bmean
        hbn = (hln - bmean) / jnp.sqrt(bvar + EPS) * bnw_ref[...] + bnb_ref[...]
        s = hbn * jax.nn.sigmoid(hbn)
        o_ref[...] = _halfsum(s * w1_ref[...], mask_ref[...]) + b1_ref[...]

    return _apply_body


def _apply(g2, stats, mask, lnw2, lnb2, bnw2, bnb2, w1d, b1, blk_rows):
    r, h2 = g2.shape
    nb = r // blk_rows
    full = lambda i: (0, 0)
    return pl.pallas_call(
        _make_apply_body(2 * r),
        grid=(nb,),
        in_specs=[
            pl.BlockSpec((blk_rows, h2), lambda i: (i, 0)),
            pl.BlockSpec((2, h2), full),
            pl.BlockSpec((h2, 2), full),
            pl.BlockSpec((1, h2), full),
            pl.BlockSpec((1, h2), full),
            pl.BlockSpec((1, h2), full),
            pl.BlockSpec((1, h2), full),
            pl.BlockSpec((1, h2), full),
            pl.BlockSpec((1, 1), full),
        ],
        out_specs=pl.BlockSpec((blk_rows, 2), lambda i: (i, 0)),
        out_shape=jax.ShapeDtypeStruct((r, 2), jnp.float32),
    )(g2, stats, mask, lnw2, lnb2, bnw2, bnb2, w1d, b1.reshape(1, 1))


def kernel(x, edge_index, W0, b0, ln0_w, ln0_b, bn0_w, bn0_b, W1, b1):
    n, d = x.shape
    e = edge_index.shape[1]
    h = W0.shape[1]
    h2 = 2 * h
    chunk = 128
    rows_total = e // chunk

    start = edge_index[0].astype(jnp.int32).reshape(rows_total, chunk)
    end = edge_index[1].astype(jnp.int32).reshape(rows_total, chunk)

    ya, yb = _node_mm(x, W0, b0)

    info = plsc.get_sparse_core_info()
    g3 = _make_gather(rows_total, chunk, h, info.num_cores, info.num_subcores)(
        ya, yb, start, end
    )
    g2 = g3.reshape(e // 2, h2)

    mask = jnp.asarray(np.kron(np.eye(2, dtype=np.float32), np.ones((h, 1), np.float32)))
    dup = lambda p: jnp.concatenate([p, p]).reshape(1, h2)

    blk_rows = 8000
    stats = _stats(g2, mask, dup(ln0_w), dup(ln0_b), blk_rows)
    out2 = _apply(g2, stats, mask, dup(ln0_w), dup(ln0_b), dup(bn0_w),
                  dup(bn0_b), dup(W1[:, 0]), b1, blk_rows)
    return out2.reshape(e)

# --- scband reference (transcript-rebuilt; emitter-appended) ---
"""Pipeline reference for scband-edge-network-49761491092125 (READ-ONLY COPY).

The authoritative reference and input builder live on the scoring server;
editing this copy changes nothing except your own understanding.
"""

import jax, jax.numpy as jnp
import numpy as np

N = 10000
E = 320000
D = 128
H = 64
EPS = 1e-5

def _layer_norm(h, g, b):
    m = jnp.mean(h, axis=-1, keepdims=True)
    v = jnp.var(h, axis=-1, keepdims=True)
    return (h - m) / jnp.sqrt(v + EPS) * g + b

def _batch_norm(h, g, b):
    # BatchNorm1d in training mode: biased batch statistics over the edge dimension
    m = jnp.mean(h, axis=0, keepdims=True)
    v = jnp.var(h, axis=0, keepdims=True)
    return (h - m) / jnp.sqrt(v + EPS) * g + b

def setup_inputs(seed: int = 0):
    key = jax.random.key(seed)
    ks = jax.random.split(key, 8)
    x = jax.random.normal(ks[0], (N, D), dtype=jnp.float32)
    edge_index = jax.random.randint(ks[1], (2, E), 0, N, dtype=jnp.int32).astype(jnp.int64)
    s0 = 1.0 / np.sqrt(2 * D)
    W0 = jax.random.uniform(ks[2], (2 * D, H), jnp.float32, -s0, s0)
    b0 = jax.random.uniform(ks[3], (H,), jnp.float32, -s0, s0)
    ln0_w = jnp.ones((H,), jnp.float32)
    ln0_b = jnp.zeros((H,), jnp.float32)
    bn0_w = jnp.ones((H,), jnp.float32)
    bn0_b = jnp.zeros((H,), jnp.float32)
    s1 = 1.0 / np.sqrt(H)
    W1 = jax.random.uniform(ks[4], (H, 1), jnp.float32, -s1, s1)
    b1 = jax.random.uniform(ks[5], (1,), jnp.float32, -s1, s1)
    return {"x": x, "edge_index": edge_index, "W0": W0, "b0": b0,
            "ln0_w": ln0_w, "ln0_b": ln0_b, "bn0_w": bn0_w, "bn0_b": bn0_b,
            "W1": W1, "b1": b1}

def reference(x, edge_index, W0, b0, ln0_w, ln0_b, bn0_w, bn0_b, W1, b1):
    start = edge_index[0]
    end = edge_index[1]
    edge_inputs = jnp.concatenate([jnp.take(x, start, axis=0), jnp.take(x, end, axis=0)], axis=1)
    h = edge_inputs @ W0 + b0
    h = _layer_norm(h, ln0_w, ln0_b)
    h = _batch_norm(h, bn0_w, bn0_b)
    h = jax.nn.silu(h)
    out = h @ W1 + b1
    return jnp.squeeze(out, -1)

if __name__ == "__main__":
    import jax
    _d = setup_inputs()
    print(jax.jit(kernel)(*tuple(_d.values())))

</pallas_src>

<mosaic_0001>
#map = affine_map<(d0, d1) -> (0, 0)>
#map1 = affine_map<(d0, d1) -> (0, 0, 0)>
module attributes {stable_mosaic.version = 14 : i64} {
  func.func @gather_kernel(%arg0: i32, %arg1: i32, %arg2: memref<10000x64xf32, #tpu.memory_space<hbm>>, %arg3: memref<10000x64xf32, #tpu.memory_space<hbm>>, %arg4: memref<2500x128xi32, #tpu.memory_space<hbm>>, %arg5: memref<2500x128xi32, #tpu.memory_space<hbm>>, %arg6: memref<2500x128x64xf32, #tpu.memory_space<hbm>>, %arg7: memref<128xi32, #tpu.memory_space<vmem>>, %arg8: memref<128xi32, #tpu.memory_space<vmem>>, %arg9: memref<128xi32, #tpu.memory_space<vmem>>, %arg10: memref<128xi32, #tpu.memory_space<vmem>>, %arg11: memref<128x64xf32, #tpu.memory_space<vmem>>, %arg12: memref<128x64xf32, #tpu.memory_space<vmem>>, %arg13: memref<!tpu.dma_semaphore, #tpu.memory_space<semaphore_mem>>, %arg14: memref<!tpu.dma_semaphore, #tpu.memory_space<semaphore_mem>>, %arg15: memref<!tpu.dma_semaphore, #tpu.memory_space<semaphore_mem>>, %arg16: memref<!tpu.dma_semaphore, #tpu.memory_space<semaphore_mem>>) attributes {dimension_semantics = [#tpu.dimension_semantics<core_parallel>, #tpu.dimension_semantics<subcore_parallel>], iteration_bounds = array<i64: 2, 16>, scalar_prefetch = 0 : i64, scratch_operands = 10 : i64, tpu.core_type = #tpu.core_type<sc_vector_subcore>, window_params = [{transform_indices = #map}, {transform_indices = #map}, {transform_indices = #map}, {transform_indices = #map}, {transform_indices = #map1}]} {
    %mul3A = arith.constant 2 : i32
    %mul3A_0 = arith.muli %arg1, %mul3A : i32
    %add3A = arith.addi %mul3A_0, %arg0 : i32
    %scan3A = arith.constant 0 : i32
    %scan3A_1 = arith.constant 0 : i32
    %scan3A_2 = arith.constant 40 : i32
    %scan3A_3 = arith.addi %scan3A_1, %scan3A_2 : i32
    %scan3A_4 = arith.constant 1 : i32
    scf.for %scan3A_23 = %scan3A_1 to %scan3A_3 step %scan3A_4  : i32 {
      %mul3A_24 = arith.constant 2 : i32
      %mul3A_25 = arith.muli %mul3A_24, %scan3A_23 : i32
      %add3A_26 = arith.constant 0 : i32
      %add3A_27 = arith.addi %mul3A_25, %add3A_26 : i32
      %mul3A_28 = arith.constant 32 : i32
      %mul3A_29 = arith.muli %mul3A_28, %add3A_27 : i32
      %add3A_30 = arith.addi %add3A, %mul3A_29 : i32
      %lt3A = arith.constant 2500 : i32
      %lt3A_31 = arith.cmpi slt, %add3A_30, %lt3A : i32
      %convert_element_type3A = arith.extui %lt3A_31 : i1 to i32
      %cond3A = arith.constant 0 : i32
      %cond3A_32 = arith.cmpi ne, %convert_element_type3A, %cond3A : i32
      scf.if %cond3A_32 {
        %dma_start3A = arith.constant 0 : i32
        %dma_start3A_45 = tpu.memref_slice %arg4[%add3A_30, %dma_start3A] : memref<2500x128xi32, #tpu.memory_space<hbm>> -> memref<1x128xi32, #tpu.memory_space<hbm>>
        %dma_start3A_46 = tpu.memref_squeeze %dma_start3A_45 : memref<1x128xi32, #tpu.memory_space<hbm>> -> memref<128xi32, #tpu.memory_space<hbm>>
        %dma_start3A_47 = arith.constant 0 : i32
        %dma_start3A_48 = tpu.memref_slice %arg4[%add3A_30, %dma_start3A_47] : memref<2500x128xi32, #tpu.memory_space<hbm>> -> memref<1x128xi32, #tpu.memory_space<hbm>>
        %dma_start3A_49 = tpu.memref_squeeze %dma_start3A_48 : memref<1x128xi32, #tpu.memory_space<hbm>> -> memref<128xi32, #tpu.memory_space<hbm>>
        tpu.enqueue_dma source(%dma_start3A_49 : memref<128xi32, #tpu.memory_space<hbm>>) target(%arg7 : memref<128xi32, #tpu.memory_space<vmem>>) target_semaphore(%arg13 : memref<!tpu.dma_semaphore, #tpu.memory_space<semaphore_mem>>)
        %dma_start3A_50 = arith.constant 0 : i32
        %dma_start3A_51 = tpu.memref_slice %arg5[%add3A_30, %dma_start3A_50] : memref<2500x128xi32, #tpu.memory_space<hbm>> -> memref<1x128xi32, #tpu.memory_space<hbm>>
        %dma_start3A_52 = tpu.memref_squeeze %dma_start3A_51 : memref<1x128xi32, #tpu.memory_space<hbm>> -> memref<128xi32, #tpu.memory_space<hbm>>
        %dma_start3A_53 = arith.constant 0 : i32
        %dma_start3A_54 = tpu.memref_slice %arg5[%add3A_30, %dma_start3A_53] : memref<2500x128xi32, #tpu.memory_space<hbm>> -> memref<1x128xi32, #tpu.memory_space<hbm>>
        %dma_start3A_55 = tpu.memref_squeeze %dma_start3A_54 : memref<1x128xi32, #tpu.memory_space<hbm>> -> memref<128xi32, #tpu.memory_space<hbm>>
        tpu.enqueue_dma source(%dma_start3A_55 : memref<128xi32, #tpu.memory_space<hbm>>) target(%arg9 : memref<128xi32, #tpu.memory_space<vmem>>) target_semaphore(%arg13 : memref<!tpu.dma_semaphore, #tpu.memory_space<semaphore_mem>>)
        %gt3A = arith.constant 0 : i32
        %gt3A_56 = arith.cmpi sgt, %scan3A_23, %gt3A : i32
        %convert_element_type3A_57 = arith.extui %gt3A_56 : i1 to i32
        %cond3A_58 = arith.constant 0 : i32
        %cond3A_59 = arith.cmpi ne, %convert_element_type3A_57, %cond3A_58 : i32
        scf.if %cond3A_59 {
          %dma_wait3A_92 = arith.constant 0 : i32
          %dma_wait3A_93 = arith.constant 0 : i32
          %dma_wait3A_94 = arith.constant 0 : i32
          %dma_wait3A_95 = tpu.memref_slice %arg6[%dma_wait3A_92, %dma_wait3A_93, %dma_wait3A_94] : memref<2500x128x64xf32, #tpu.memory_space<hbm>> -> memref<1x128x64xf32, #tpu.memory_space<hbm>>
          %dma_wait3A_96 = tpu.memref_squeeze %dma_wait3A_95 : memref<1x128x64xf32, #tpu.memory_space<hbm>> -> memref<128x64xf32, #tpu.memory_space<hbm>>
          %dma_wait3A_97 = arith.constant 0 : i32
          %dma_wait3A_98 = arith.constant 0 : i32
          %dma_wait3A_99 = tpu.memref_slice %arg6[%dma_wait3A_92, %dma_wait3A_97, %dma_wait3A_98] : memref<2500x128x64xf32, #tpu.memory_space<hbm>> -> memref<1x128x64xf32, #tpu.memory_space<hbm>>
          %dma_wait3A_100 = tpu.memref_squeeze %dma_wait3A_99 : memref<1x128x64xf32, #tpu.memory_space<hbm>> -> memref<128x64xf32, #tpu.memory_space<hbm>>
          tpu.wait_dma2 semaphore(%arg15 : memref<!tpu.dma_semaphore, #tpu.memory_space<semaphore_mem>>) src(%dma_wait3A_100 : memref<128x64xf32, #tpu.memory_space<hbm>>) dst(%arg11 : memref<128x64xf32, #tpu.memory_space<vmem>>)
        } else {
        }
        %dma_wait3A_60 = arith.constant 0 : i32
        %dma_wait3A_61 = tpu.memref_slice %arg4[%add3A_30, %dma_wait3A_60] : memref<2500x128xi32, #tpu.memory_space<hbm>> -> memref<1x128xi32, #tpu.memory_space<hbm>>
        %dma_wait3A_62 = tpu.memref_squeeze %dma_wait3A_61 : memref<1x128xi32, #tpu.memory_space<hbm>> -> memref<128xi32, #tpu.memory_space<hbm>>
        %dma_wait3A_63 = arith.constant 0 : i32
        %dma_wait3A_64 = tpu.memref_slice %arg4[%add3A_30, %dma_wait3A_63] : memref<2500x128xi32, #tpu.memory_space<hbm>> -> memref<1x128xi32, #tpu.memory_space<hbm>>
        %dma_wait3A_65 = tpu.memref_squeeze %dma_wait3A_64 : memref<1x128xi32, #tpu.memory_space<hbm>> -> memref<128xi32, #tpu.memory_space<hbm>>
        tpu.wait_dma2 semaphore(%arg13 : memref<!tpu.dma_semaphore, #tpu.memory_space<semaphore_mem>>) src(%dma_wait3A_65 : memref<128xi32, #tpu.memory_space<hbm>>) dst(%arg7 : memref<128xi32, #tpu.memory_space<vmem>>)
        %dma_wait3A_66 = arith.constant 0 : i32
        %dma_wait3A_67 = tpu.memref_slice %arg5[%add3A_30, %dma_wait3A_66] : memref<2500x128xi32, #tpu.memory_space<hbm>> -> memref<1x128xi32, #tpu.memory_space<hbm>>
        %dma_wait3A_68 = tpu.memref_squeeze %dma_wait3A_67 : memref<1x128xi32, #tpu.memory_space<hbm>> -> memref<128xi32, #tpu.memory_space<hbm>>
        %dma_wait3A_69 = arith.constant 0 : i32
        %dma_wait3A_70 = tpu.memref_slice %arg5[%add3A_30, %dma_wait3A_69] : memref<2500x128xi32, #tpu.memory_space<hbm>> -> memref<1x128xi32, #tpu.memory_space<hbm>>
        %dma_wait3A_71 = tpu.memref_squeeze %dma_wait3A_70 : memref<1x128xi32, #tpu.memory_space<hbm>> -> memref<128xi32, #tpu.memory_space<hbm>>
        tpu.wait_dma2 semaphore(%arg13 : memref<!tpu.dma_semaphore, #tpu.memory_space<semaphore_mem>>) src(%dma_wait3A_71 : memref<128xi32, #tpu.memory_space<hbm>>) dst(%arg9 : memref<128xi32, #tpu.memory_space<vmem>>)
        %dma_start3A_72 = arith.constant 0 : i32
        %dma_start3A_73 = arith.constant 0 : i32
        %dma_start3A_74 = tpu.memref_slice %arg2[%dma_start3A_72, %dma_start3A_73] : memref<10000x64xf32, #tpu.memory_space<hbm>> -> memref<10000x64xf32, #tpu.memory_space<hbm>>
        tpu.enqueue_indirect_dma source(%dma_start3A_74 : memref<10000x64xf32, #tpu.memory_space<hbm>>) target(%arg11 : memref<128x64xf32, #tpu.memory_space<vmem>>) offsets(%arg7 : memref<128xi32, #tpu.memory_space<vmem>>) semaphore(%arg14 : memref<!tpu.dma_semaphore, #tpu.memory_space<semaphore_mem>>)
        %dma_wait3A_75 = arith.constant 0 : i32
        %dma_wait3A_76 = arith.constant 0 : i32
        %dma_wait3A_77 = tpu.memref_slice %arg2[%dma_wait3A_75, %dma_wait3A_76] : memref<10000x64xf32, #tpu.memory_space<hbm>> -> memref<10000x64xf32, #tpu.memory_space<hbm>>
        tpu.wait_indirect_dma semaphore(%arg14 : memref<!tpu.dma_semaphore, #tpu.memory_space<semaphore_mem>>) src(%dma_wait3A_77 : memref<10000x64xf32, #tpu.memory_space<hbm>>) dst(%arg11 : memref<128x64xf32, #tpu.memory_space<vmem>>)
        %dma_start3A_78 = arith.constant 0 : i32
        %dma_start3A_79 = arith.constant 0 : i32
        %dma_start3A_80 = tpu.memref_slice %arg3[%dma_start3A_78, %dma_start3A_79] : memref<10000x64xf32, #tpu.memory_space<hbm>> -> memref<10000x64xf32, #tpu.memory_space<hbm>>
        tpu.enqueue_indirect_dma source(%dma_start3A_80 : memref<10000x64xf32, #tpu.memory_space<hbm>>) target(%arg11 : memref<128x64xf32, #tpu.memory_space<vmem>>) offsets(%arg9 : memref<128xi32, #tpu.memory_space<vmem>>) semaphore(%arg14 : memref<!tpu.dma_semaphore, #tpu.memory_space<semaphore_mem>>) {add = true}
        %dma_wait3A_81 = arith.constant 0 : i32
        %dma_wait3A_82 = arith.constant 0 : i32
        %dma_wait3A_83 = tpu.memref_slice %arg3[%dma_wait3A_81, %dma_wait3A_82] : memref<10000x64xf32, #tpu.memory_space<hbm>> -> memref<10000x64xf32, #tpu.memory_space<hbm>>
        tpu.wait_indirect_dma semaphore(%arg14 : memref<!tpu.dma_semaphore, #tpu.memory_space<semaphore_mem>>) src(%dma_wait3A_83 : memref<10000x64xf32, #tpu.memory_space<hbm>>) dst(%arg11 : memref<128x64xf32, #tpu.memory_space<vmem>>)
        %dma_start3A_84 = arith.constant 0 : i32
        %dma_start3A_85 = arith.constant 0 : i32
        %dma_start3A_86 = tpu.memref_slice %arg6[%add3A_30, %dma_start3A_84, %dma_start3A_85] : memref<2500x128x64xf32, #tpu.memory_space<hbm>> -> memref<1x128x64xf32, #tpu.memory_space<hbm>>
        %dma_start3A_87 = tpu.memref_squeeze %dma_start3A_86 : memref<1x128x64xf32, #tpu.memory_space<hbm>> -> memref<128x64xf32, #tpu.memory_space<hbm>>
        %dma_start3A_88 = arith.constant 0 : i32
        %dma_start3A_89 = arith.constant 0 : i32
        %dma_start3A_90 = tpu.memref_slice %arg6[%add3A_30, %dma_start3A_88, %dma_start3A_89] : memref<2500x128x64xf32, #tpu.memory_space<hbm>> -> memref<1x128x64xf32, #tpu.memory_space<hbm>>
        %dma_start3A_91 = tpu.memref_squeeze %dma_start3A_90 : memref<1x128x64xf32, #tpu.memory_space<hbm>> -> memref<128x64xf32, #tpu.memory_space<hbm>>
        tpu.enqueue_dma source(%arg11 : memref<128x64xf32, #tpu.memory_space<vmem>>) target(%dma_start3A_91 : memref<128x64xf32, #tpu.memory_space<hbm>>) target_semaphore(%arg15 : memref<!tpu.dma_semaphore, #tpu.memory_space<semaphore_mem>>)
      } else {
      }
      %mul3A_33 = arith.constant 2 : i32
      %mul3A_34 = arith.muli %mul3A_33, %scan3A_23 : i32
      %add3A_35 = arith.constant 1 : i32
      %add3A_36 = arith.addi %mul3A_34, %add3A_35 : i32
      %mul3A_37 = arith.constant 32 : i32
      %mul3A_38 = arith.muli %mul3A_37, %add3A_36 : i32
      %add3A_39 = arith.addi %add3A, %mul3A_38 : i32
      %lt3A_40 = arith.constant 2500 : i32
      %lt3A_41 = arith.cmpi slt, %add3A_39, %lt3A_40 : i32
      %convert_element_type3A_42 = arith.extui %lt3A_41 : i1 to i32
      %cond3A_43 = arith.constant 0 : i32
      %cond3A_44 = arith.cmpi ne, %convert_element_type3A_42, %cond3A_43 : i32
      scf.if %cond3A_44 {
        %dma_start3A = arith.constant 0 : i32
        %dma_start3A_45 = tpu.memref_slice %arg4[%add3A_39, %dma_start3A] : memref<2500x128xi32, #tpu.memory_space<hbm>> -> memref<1x128xi32, #tpu.memory_space<hbm>>
        %dma_start3A_46 = tpu.memref_squeeze %dma_start3A_45 : memref<1x128xi32, #tpu.memory_space<hbm>> -> memref<128xi32, #tpu.memory_space<hbm>>
        %dma_start3A_47 = arith.constant 0 : i32
        %dma_start3A_48 = tpu.memref_slice %arg4[%add3A_39, %dma_start3A_47] : memref<2500x128xi32, #tpu.memory_space<hbm>> -> memref<1x128xi32, #tpu.memory_space<hbm>>
        %dma_start3A_49 = tpu.memref_squeeze %dma_start3A_48 : memref<1x128xi32, #tpu.memory_space<hbm>> -> memref<128xi32, #tpu.memory_space<hbm>>
        tpu.enqueue_dma source(%dma_start3A_49 : memref<128xi32, #tpu.memory_space<hbm>>) target(%arg8 : memref<128xi32, #tpu.memory_space<vmem>>) target_semaphore(%arg13 : memref<!tpu.dma_semaphore, #tpu.memory_space<semaphore_mem>>)
        %dma_start3A_50 = arith.constant 0 : i32
        %dma_start3A_51 = tpu.memref_slice %arg5[%add3A_39, %dma_start3A_50] : memref<2500x128xi32, #tpu.memory_space<hbm>> -> memref<1x128xi32, #tpu.memory_space<hbm>>
        %dma_start3A_52 = tpu.memref_squeeze %dma_start3A_51 : memref<1x128xi32, #tpu.memory_space<hbm>> -> memref<128xi32, #tpu.memory_space<hbm>>
        %dma_start3A_53 = arith.constant 0 : i32
        %dma_start3A_54 = tpu.memref_slice %arg5[%add3A_39, %dma_start3A_53] : memref<2500x128xi32, #tpu.memory_space<hbm>> -> memref<1x128xi32, #tpu.memory_space<hbm>>
        %dma_start3A_55 = tpu.memref_squeeze %dma_start3A_54 : memref<1x128xi32, #tpu.memory_space<hbm>> -> memref<128xi32, #tpu.memory_space<hbm>>
        tpu.enqueue_dma source(%dma_start3A_55 : memref<128xi32, #tpu.memory_space<hbm>>) target(%arg10 : memref<128xi32, #tpu.memory_space<vmem>>) target_semaphore(%arg13 : memref<!tpu.dma_semaphore, #tpu.memory_space<semaphore_mem>>)
        %gt3A = arith.constant 0 : i32
        %gt3A_56 = arith.cmpi sgt, %scan3A_23, %gt3A : i32
        %convert_element_type3A_57 = arith.extui %gt3A_56 : i1 to i32
        %cond3A_58 = arith.constant 0 : i32
        %cond3A_59 = arith.cmpi ne, %convert_element_type3A_57, %cond3A_58 : i32
        scf.if %cond3A_59 {
          %dma_wait3A_92 = arith.constant 0 : i32
          %dma_wait3A_93 = arith.constant 0 : i32
          %dma_wait3A_94 = arith.constant 0 : i32
          %dma_wait3A_95 = tpu.memref_slice %arg6[%dma_wait3A_92, %dma_wait3A_93, %dma_wait3A_94] : memref<2500x128x64xf32, #tpu.memory_space<hbm>> -> memref<1x128x64xf32, #tpu.memory_space<hbm>>
          %dma_wait3A_96 = tpu.memref_squeeze %dma_wait3A_95 : memref<1x128x64xf32, #tpu.memory_space<hbm>> -> memref<128x64xf32, #tpu.memory_space<hbm>>
          %dma_wait3A_97 = arith.constant 0 : i32
          %dma_wait3A_98 = arith.constant 0 : i32
          %dma_wait3A_99 = tpu.memref_slice %arg6[%dma_wait3A_92, %dma_wait3A_97, %dma_wait3A_98] : memref<2500x128x64xf32, #tpu.memory_space<hbm>> -> memref<1x128x64xf32, #tpu.memory_space<hbm>>
          %dma_wait3A_100 = tpu.memref_squeeze %dma_wait3A_99 : memref<1x128x64xf32, #tpu.memory_space<hbm>> -> memref<128x64xf32, #tpu.memory_space<hbm>>
          tpu.wait_dma2 semaphore(%arg16 : memref<!tpu.dma_semaphore, #tpu.memory_space<semaphore_mem>>) src(%dma_wait3A_100 : memref<128x64xf32, #tpu.memory_space<hbm>>) dst(%arg12 : memref<128x64xf32, #tpu.memory_space<vmem>>)
        } else {
        }
        %dma_wait3A_60 = arith.constant 0 : i32
        %dma_wait3A_61 = tpu.memref_slice %arg4[%add3A_39, %dma_wait3A_60] : memref<2500x128xi32, #tpu.memory_space<hbm>> -> memref<1x128xi32, #tpu.memory_space<hbm>>
        %dma_wait3A_62 = tpu.memref_squeeze %dma_wait3A_61 : memref<1x128xi32, #tpu.memory_space<hbm>> -> memref<128xi32, #tpu.memory_space<hbm>>
        %dma_wait3A_63 = arith.constant 0 : i32
        %dma_wait3A_64 = tpu.memref_slice %arg4[%add3A_39, %dma_wait3A_63] : memref<2500x128xi32, #tpu.memory_space<hbm>> -> memref<1x128xi32, #tpu.memory_space<hbm>>
        %dma_wait3A_65 = tpu.memref_squeeze %dma_wait3A_64 : memref<1x128xi32, #tpu.memory_space<hbm>> -> memref<128xi32, #tpu.memory_space<hbm>>
        tpu.wait_dma2 semaphore(%arg13 : memref<!tpu.dma_semaphore, #tpu.memory_space<semaphore_mem>>) src(%dma_wait3A_65 : memref<128xi32, #tpu.memory_space<hbm>>) dst(%arg8 : memref<128xi32, #tpu.memory_space<vmem>>)
        %dma_wait3A_66 = arith.constant 0 : i32
        %dma_wait3A_67 = tpu.memref_slice %arg5[%add3A_39, %dma_wait3A_66] : memref<2500x128xi32, #tpu.memory_space<hbm>> -> memref<1x128xi32, #tpu.memory_space<hbm>>
        %dma_wait3A_68 = tpu.memref_squeeze %dma_wait3A_67 : memref<1x128xi32, #tpu.memory_space<hbm>> -> memref<128xi32, #tpu.memory_space<hbm>>
        %dma_wait3A_69 = arith.constant 0 : i32
        %dma_wait3A_70 = tpu.memref_slice %arg5[%add3A_39, %dma_wait3A_69] : memref<2500x128xi32, #tpu.memory_space<hbm>> -> memref<1x128xi32, #tpu.memory_space<hbm>>
        %dma_wait3A_71 = tpu.memref_squeeze %dma_wait3A_70 : memref<1x128xi32, #tpu.memory_space<hbm>> -> memref<128xi32, #tpu.memory_space<hbm>>
        tpu.wait_dma2 semaphore(%arg13 : memref<!tpu.dma_semaphore, #tpu.memory_space<semaphore_mem>>) src(%dma_wait3A_71 : memref<128xi32, #tpu.memory_space<hbm>>) dst(%arg10 : memref<128xi32, #tpu.memory_space<vmem>>)
        %dma_start3A_72 = arith.constant 0 : i32
        %dma_start3A_73 = arith.constant 0 : i32
        %dma_start3A_74 = tpu.memref_slice %arg2[%dma_start3A_72, %dma_start3A_73] : memref<10000x64xf32, #tpu.memory_space<hbm>> -> memref<10000x64xf32, #tpu.memory_space<hbm>>
        tpu.enqueue_indirect_dma source(%dma_start3A_74 : memref<10000x64xf32, #tpu.memory_space<hbm>>) target(%arg12 : memref<128x64xf32, #tpu.memory_space<vmem>>) offsets(%arg8 : memref<128xi32, #tpu.memory_space<vmem>>) semaphore(%arg14 : memref<!tpu.dma_semaphore, #tpu.memory_space<semaphore_mem>>)
        %dma_wait3A_75 = arith.constant 0 : i32
        %dma_wait3A_76 = arith.constant 0 : i32
        %dma_wait3A_77 = tpu.memref_slice %arg2[%dma_wait3A_75, %dma_wait3A_76] : memref<10000x64xf32, #tpu.memory_space<hbm>> -> memref<10000x64xf32, #tpu.memory_space<hbm>>
        tpu.wait_indirect_dma semaphore(%arg14 : memref<!tpu.dma_semaphore, #tpu.memory_space<semaphore_mem>>) src(%dma_wait3A_77 : memref<10000x64xf32, #tpu.memory_space<hbm>>) dst(%arg12 : memref<128x64xf32, #tpu.memory_space<vmem>>)
        %dma_start3A_78 = arith.constant 0 : i32
        %dma_start3A_79 = arith.constant 0 : i32
        %dma_start3A_80 = tpu.memref_slice %arg3[%dma_start3A_78, %dma_start3A_79] : memref<10000x64xf32, #tpu.memory_space<hbm>> -> memref<10000x64xf32, #tpu.memory_space<hbm>>
        tpu.enqueue_indirect_dma source(%dma_start3A_80 : memref<10000x64xf32, #tpu.memory_space<hbm>>) target(%arg12 : memref<128x64xf32, #tpu.memory_space<vmem>>) offsets(%arg10 : memref<128xi32, #tpu.memory_space<vmem>>) semaphore(%arg14 : memref<!tpu.dma_semaphore, #tpu.memory_space<semaphore_mem>>) {add = true}
        %dma_wait3A_81 = arith.constant 0 : i32
        %dma_wait3A_82 = arith.constant 0 : i32
        %dma_wait3A_83 = tpu.memref_slice %arg3[%dma_wait3A_81, %dma_wait3A_82] : memref<10000x64xf32, #tpu.memory_space<hbm>> -> memref<10000x64xf32, #tpu.memory_space<hbm>>
        tpu.wait_indirect_dma semaphore(%arg14 : memref<!tpu.dma_semaphore, #tpu.memory_space<semaphore_mem>>) src(%dma_wait3A_83 : memref<10000x64xf32, #tpu.memory_space<hbm>>) dst(%arg12 : memref<128x64xf32, #tpu.memory_space<vmem>>)
        %dma_start3A_84 = arith.constant 0 : i32
        %dma_start3A_85 = arith.constant 0 : i32
        %dma_start3A_86 = tpu.memref_slice %arg6[%add3A_39, %dma_start3A_84, %dma_start3A_85] : memref<2500x128x64xf32, #tpu.memory_space<hbm>> -> memref<1x128x64xf32, #tpu.memory_space<hbm>>
        %dma_start3A_87 = tpu.memref_squeeze %dma_start3A_86 : memref<1x128x64xf32, #tpu.memory_space<hbm>> -> memref<128x64xf32, #tpu.memory_space<hbm>>
        %dma_start3A_88 = arith.constant 0 : i32
        %dma_start3A_89 = arith.constant 0 : i32
        %dma_start3A_90 = tpu.memref_slice %arg6[%add3A_39, %dma_start3A_88, %dma_start3A_89] : memref<2500x128x64xf32, #tpu.memory_space<hbm>> -> memref<1x128x64xf32, #tpu.memory_space<hbm>>
        %dma_start3A_91 = tpu.memref_squeeze %dma_start3A_90 : memref<1x128x64xf32, #tpu.memory_space<hbm>> -> memref<128x64xf32, #tpu.memory_space<hbm>>
        tpu.enqueue_dma source(%arg12 : memref<128x64xf32, #tpu.memory_space<vmem>>) target(%dma_start3A_91 : memref<128x64xf32, #tpu.memory_space<hbm>>) target_semaphore(%arg16 : memref<!tpu.dma_semaphore, #tpu.memory_space<semaphore_mem>>)
      } else {
      }
    }
    %scan3A_5 = arith.constant 40 : i32
    %dma_wait3A = arith.constant 0 : i32
    %dma_wait3A_6 = arith.constant 0 : i32
    %dma_wait3A_7 = arith.constant 0 : i32
    %dma_wait3A_8 = tpu.memref_slice %arg6[%dma_wait3A, %dma_wait3A_6, %dma_wait3A_7] : memref<2500x128x64xf32, #tpu.memory_space<hbm>> -> memref<1x128x64xf32, #tpu.memory_space<hbm>>
    %dma_wait3A_9 = tpu.memref_squeeze %dma_wait3A_8 : memref<1x128x64xf32, #tpu.memory_space<hbm>> -> memref<128x64xf32, #tpu.memory_space<hbm>>
    %dma_wait3A_10 = arith.constant 0 : i32
    %dma_wait3A_11 = arith.constant 0 : i32
    %dma_wait3A_12 = tpu.memref_slice %arg6[%dma_wait3A, %dma_wait3A_10, %dma_wait3A_11] : memref<2500x128x64xf32, #tpu.memory_space<hbm>> -> memref<1x128x64xf32, #tpu.memory_space<hbm>>
    %dma_wait3A_13 = tpu.memref_squeeze %dma_wait3A_12 : memref<1x128x64xf32, #tpu.memory_space<hbm>> -> memref<128x64xf32, #tpu.memory_space<hbm>>
    tpu.wait_dma2 semaphore(%arg15 : memref<!tpu.dma_semaphore, #tpu.memory_space<semaphore_mem>>) src(%dma_wait3A_13 : memref<128x64xf32, #tpu.memory_space<hbm>>) dst(%arg11 : memref<128x64xf32, #tpu.memory_space<vmem>>)
    %dma_wait3A_14 = arith.constant 0 : i32
    %dma_wait3A_15 = arith.constant 0 : i32
    %dma_wait3A_16 = arith.constant 0 : i32
    %dma_wait3A_17 = tpu.memref_slice %arg6[%dma_wait3A_14, %dma_wait3A_15, %dma_wait3A_16] : memref<2500x128x64xf32, #tpu.memory_space<hbm>> -> memref<1x128x64xf32, #tpu.memory_space<hbm>>
    %dma_wait3A_18 = tpu.memref_squeeze %dma_wait3A_17 : memref<1x128x64xf32, #tpu.memory_space<hbm>> -> memref<128x64xf32, #tpu.memory_space<hbm>>
    %dma_wait3A_19 = arith.constant 0 : i32
    %dma_wait3A_20 = arith.constant 0 : i32
    %dma_wait3A_21 = tpu.memref_slice %arg6[%dma_wait3A_14, %dma_wait3A_19, %dma_wait3A_20] : memref<2500x128x64xf32, #tpu.memory_space<hbm>> -> memref<1x128x64xf32, #tpu.memory_space<hbm>>
    %dma_wait3A_22 = tpu.memref_squeeze %dma_wait3A_21 : memref<1x128x64xf32, #tpu.memory_space<hbm>> -> memref<128x64xf32, #tpu.memory_space<hbm>>
    tpu.wait_dma2 semaphore(%arg16 : memref<!tpu.dma_semaphore, #tpu.memory_space<semaphore_mem>>) src(%dma_wait3A_22 : memref<128x64xf32, #tpu.memory_space<hbm>>) dst(%arg12 : memref<128x64xf32, #tpu.memory_space<vmem>>)
    return
  }
}

module attributes {stable_mosaic.version = 14 : i64} {
  func.func @_node_mm_body(%arg0: memref<10000x128xf32, #tpu.memory_space<vmem>>, %arg1: memref<256x64xf32, #tpu.memory_space<vmem>>, %arg2: memref<1x64xf32, #tpu.memory_space<vmem>>, %arg3: memref<10000x64xf32, #tpu.memory_space<vmem>>, %arg4: memref<10000x64xf32, #tpu.memory_space<vmem>>) attributes {dimension_semantics = [], scalar_prefetch = 0 : i64, scratch_operands = 0 : i64, tpu.core_type = #tpu.core_type<tc>} {
    %get3A = arith.constant 0 : index
    %get3A_0 = arith.constant 0 : index
    %get3A_1 = vector.load %arg0[%get3A, %get3A_0] : memref<10000x128xf32, #tpu.memory_space<vmem>>, vector<10000x128xf32>
    %get3A_2 = arith.constant 0 : index
    %get3A_3 = arith.constant 0 : index
    %get3A_4 = vector.load %arg1[%get3A_2, %get3A_3] : memref<256x64xf32, #tpu.memory_space<vmem>>, vector<128x64xf32>
    %dot_general3A = arith.constant dense<0.000000e+00> : vector<10000x64xf32>
    %dot_general3A_5 = tpu.matmul %get3A_1, %get3A_4, %dot_general3A {dimension_numbers = #tpu.dot_dimension_numbers<[1], [0], [0], [1], [0, 0, 1, 1], [], []>, precision = #tpu.contract_precision<fp32>, transpose_lhs_hint = false} : vector<10000x128xf32>, vector<128x64xf32>, vector<10000x64xf32> -> vector<10000x64xf32>
    %swap3A = arith.constant 0 : index
    %swap3A_6 = arith.constant 0 : index
    %swap3A_7 = vector.load %arg3[%swap3A, %swap3A_6] : memref<10000x64xf32, #tpu.memory_space<vmem>>, vector<10000x64xf32>
    tpu.vector_store %arg3[%swap3A, %swap3A_6], %dot_general3A_5 {strides = array<i32>} : memref<10000x64xf32, #tpu.memory_space<vmem>>, vector<10000x64xf32>,
    %get3A_8 = arith.constant 128 : index
    %get3A_9 = arith.constant 0 : index
    %get3A_10 = vector.load %arg1[%get3A_8, %get3A_9] : memref<256x64xf32, #tpu.memory_space<vmem>>, vector<128x64xf32>
    %dot_general3A_11 = arith.constant dense<0.000000e+00> : vector<10000x64xf32>
    %dot_general3A_12 = tpu.matmul %get3A_1, %get3A_10, %dot_general3A_11 {dimension_numbers = #tpu.dot_dimension_numbers<[1], [0], [0], [1], [0, 0, 1, 1], [], []>, precision = #tpu.contract_precision<fp32>, transpose_lhs_hint = false} : vector<10000x128xf32>, vector<128x64xf32>, vector<10000x64xf32> -> vector<10000x64xf32>
    %get3A_13 = arith.constant 0 : index
    %get3A_14 = arith.constant 0 : index
    %get3A_15 = vector.load %arg2[%get3A_13, %get3A_14] : memref<1x64xf32, #tpu.memory_space<vmem>>, vector<1x64xf32>
    %add3A = vector.broadcast %get3A_15 : vector<1x64xf32> to vector<10000x64xf32>
    %add3A_16 = arith.addf %dot_general3A_12, %add3A : vector<10000x64xf32>
    %swap3A_17 = arith.constant 0 : index
    %swap3A_18 = arith.constant 0 : index
    %swap3A_19 = vector.load %arg4[%swap3A_17, %swap3A_18] : memref<10000x64xf32, #tpu.memory_space<vmem>>, vector<10000x64xf32>
    tpu.vector_store %arg4[%swap3A_17, %swap3A_18], %add3A_16 {strides = array<i32>} : memref<10000x64xf32, #tpu.memory_space<vmem>>, vector<10000x64xf32>,
    return
  }
}

module attributes {stable_mosaic.version = 14 : i64} {
  func.func @_stats_body(%arg0: i32, %arg1: memref<8000x128xf32, #tpu.memory_space<vmem>>, %arg2: memref<128x2xf32, #tpu.memory_space<vmem>>, %arg3: memref<1x128xf32, #tpu.memory_space<vmem>>, %arg4: memref<1x128xf32, #tpu.memory_space<vmem>>, %arg5: memref<2x128xf32, #tpu.memory_space<vmem>>) attributes {dimension_semantics = [#tpu.dimension_semantics<arbitrary>], iteration_bounds = array<i64: 20>, scalar_prefetch = 0 : i64, scratch_operands = 0 : i64, tpu.core_type = #tpu.core_type<tc>, window_params = [{transform_indices = @transform_0, window_bounds = array<i64: 8000, 128>}, {pipeline_mode = #tpu.pipeline_mode<synchronous>, transform_indices = @transform_1, window_bounds = array<i64: 128, 2>}, {pipeline_mode = #tpu.pipeline_mode<synchronous>, transform_indices = @transform_2, window_bounds = array<i64: 1, 128>}, {pipeline_mode = #tpu.pipeline_mode<synchronous>, transform_indices = @transform_3, window_bounds = array<i64: 1, 128>}, {pipeline_mode = #tpu.pipeline_mode<synchronous>, transform_indices = @transform_4, window_bounds = array<i64: 2, 128>}]} {
    %get3A = arith.constant 0 : index
    %get3A_0 = arith.constant 0 : index
    %get3A_1 = vector.load %arg1[%get3A, %get3A_0] : memref<8000x128xf32, #tpu.memory_space<vmem>>, vector<8000x128xf32>
    %get3A_2 = arith.constant 0 : index
    %get3A_3 = arith.constant 0 : index
    %get3A_4 = vector.load %arg2[%get3A_2, %get3A_3] : memref<128x2xf32, #tpu.memory_space<vmem>>, vector<128x2xf32>
    %get3A_5 = arith.constant 0 : index
    %get3A_6 = arith.constant 0 : index
    %get3A_7 = vector.load %arg3[%get3A_5, %get3A_6] : memref<1x128xf32, #tpu.memory_space<vmem>>, vector<1x128xf32>
    %get3A_8 = arith.constant 0 : index
    %get3A_9 = arith.constant 0 : index
    %get3A_10 = vector.load %arg4[%get3A_8, %get3A_9] : memref<1x128xf32, #tpu.memory_space<vmem>>, vector<1x128xf32>
    %dot_general3A = arith.constant dense<0.000000e+00> : vector<8000x2xf32>
    %dot_general3A_11 = tpu.matmul %get3A_1, %get3A_4, %dot_general3A {dimension_numbers = #tpu.dot_dimension_numbers<[1], [0], [0], [1], [0, 0, 1, 1], [], []>, transpose_lhs_hint = false} : vector<8000x128xf32>, vector<128x2xf32>, vector<8000x2xf32> -> vector<8000x2xf32>
    %mul3A = arith.constant 1.562500e-02 : f32
    %mul3A_12 = vector.broadcast %mul3A : f32 to vector<8000x2xf32>
    %mul3A_13 = arith.mulf %dot_general3A_11, %mul3A_12 : vector<8000x2xf32>
    %slice3A = vector.extract_strided_slice %mul3A_13 {offsets = [0, 0], sizes = [8000, 1], strides = [1, 1]} : vector<8000x2xf32> to vector<8000x1xf32>
    %broadcast_in_dim3A = vector.shape_cast %slice3A : vector<8000x1xf32> to vector<8000x1xf32>
    %broadcast_in_dim3A_14 = vector.broadcast %broadcast_in_dim3A : vector<8000x1xf32> to vector<8000x64xf32>
    %slice3A_15 = vector.extract_strided_slice %mul3A_13 {offsets = [0, 1], sizes = [8000, 1], strides = [1, 1]} : vector<8000x2xf32> to vector<8000x1xf32>
    %broadcast_in_dim3A_16 = vector.shape_cast %slice3A_15 : vector<8000x1xf32> to vector<8000x1xf32>
    %broadcast_in_dim3A_17 = vector.broadcast %broadcast_in_dim3A_16 : vector<8000x1xf32> to vector<8000x64xf32>
    %concatenate3A = tpu.concatenate %broadcast_in_dim3A_14, %broadcast_in_dim3A_17 in 1 : vector<8000x64xf32>, vector<8000x64xf32> -> vector<8000x128xf32>
    %sub3A = arith.subf %get3A_1, %concatenate3A : vector<8000x128xf32>
    %mul3A_18 = arith.mulf %sub3A, %sub3A : vector<8000x128xf32>
    %dot_general3A_19 = arith.constant dense<0.000000e+00> : vector<8000x2xf32>
    %dot_general3A_20 = tpu.matmul %mul3A_18, %get3A_4, %dot_general3A_19 {dimension_numbers = #tpu.dot_dimension_numbers<[1], [0], [0], [1], [0, 0, 1, 1], [], []>, transpose_lhs_hint = false} : vector<8000x128xf32>, vector<128x2xf32>, vector<8000x2xf32> -> vector<8000x2xf32>
    %mul3A_21 = arith.constant 1.562500e-02 : f32
    %mul3A_22 = vector.broadcast %mul3A_21 : f32 to vector<8000x2xf32>
    %mul3A_23 = arith.mulf %dot_general3A_20, %mul3A_22 : vector<8000x2xf32>
    %add3A = arith.constant 9.99999974E-6 : f32
    %add3A_24 = vector.broadcast %add3A : f32 to vector<8000x2xf32>
    %add3A_25 = arith.addf %mul3A_23, %add3A_24 : vector<8000x2xf32>
    %sqrt3A = math.sqrt %add3A_25 : vector<8000x2xf32>
    %div3A = arith.constant 1.000000e+00 : f32
    %div3A_26 = vector.broadcast %div3A : f32 to vector<8000x2xf32>
    %div3A_27 = arith.divf %div3A_26, %sqrt3A : vector<8000x2xf32>
    %slice3A_28 = vector.extract_strided_slice %div3A_27 {offsets = [0, 0], sizes = [8000, 1], strides = [1, 1]} : vector<8000x2xf32> to vector<8000x1xf32>
    %broadcast_in_dim3A_29 = vector.shape_cast %slice3A_28 : vector<8000x1xf32> to vector<8000x1xf32>
    %broadcast_in_dim3A_30 = vector.broadcast %broadcast_in_dim3A_29 : vector<8000x1xf32> to vector<8000x64xf32>
    %slice3A_31 = vector.extract_strided_slice %div3A_27 {offsets = [0, 1], sizes = [8000, 1], strides = [1, 1]} : vector<8000x2xf32> to vector<8000x1xf32>
    %broadcast_in_dim3A_32 = vector.shape_cast %slice3A_31 : vector<8000x1xf32> to vector<8000x1xf32>
    %broadcast_in_dim3A_33 = vector.broadcast %broadcast_in_dim3A_32 : vector<8000x1xf32> to vector<8000x64xf32>
    %concatenate3A_34 = tpu.concatenate %broadcast_in_dim3A_30, %broadcast_in_dim3A_33 in 1 : vector<8000x64xf32>, vector<8000x64xf32> -> vector<8000x128xf32>
    %mul3A_35 = arith.mulf %sub3A, %concatenate3A_34 : vector<8000x128xf32>
    %mul3A_36 = vector.broadcast %get3A_7 : vector<1x128xf32> to vector<8000x128xf32>
    %mul3A_37 = arith.mulf %mul3A_35, %mul3A_36 : vector<8000x128xf32>
    %add3A_38 = vector.broadcast %get3A_10 : vector<1x128xf32> to vector<8000x128xf32>
    %add3A_39 = arith.addf %mul3A_37, %add3A_38 : vector<8000x128xf32>
    %reduce_sum3A = arith.constant dense<0.000000e+00> : vector<128xf32>
    %reduce_sum3A_40 = vector.multi_reduction <add>, %add3A_39, %reduce_sum3A [0] : vector<8000x128xf32> to vector<128xf32>
    %mul3A_41 = arith.mulf %add3A_39, %add3A_39 : vector<8000x128xf32>
    %reduce_sum3A_42 = arith.constant dense<0.000000e+00> : vector<128xf32>
    %reduce_sum3A_43 = vector.multi_reduction <add>, %mul3A_41, %reduce_sum3A_42 [0] : vector<8000x128xf32> to vector<128xf32>
    %stack3A = vector.shape_cast %reduce_sum3A_40 : vector<128xf32> to vector<1x128xf32>
    %stack3A_44 = vector.shape_cast %reduce_sum3A_43 : vector<128xf32> to vector<1x128xf32>
    %stack3A_45 = tpu.concatenate %stack3A, %stack3A_44 in 0 : vector<1x128xf32>, vector<1x128xf32> -> vector<2x128xf32>
    %eq3A = arith.constant 0 : i32
    %eq3A_46 = arith.cmpi eq, %arg0, %eq3A : i32
    %convert_element_type3A = arith.extui %eq3A_46 : i1 to i32
    %cond3A = arith.constant 0 : i32
    %cond3A_47 = arith.cmpi ne, %convert_element_type3A, %cond3A : i32
    scf.if %cond3A_47 {
      %swap3A = arith.constant 0 : index
      %swap3A_52 = arith.constant 0 : index
      %swap3A_53 = vector.load %arg5[%swap3A, %swap3A_52] : memref<2x128xf32, #tpu.memory_space<vmem>>, vector<2x128xf32>
      tpu.vector_store %arg5[%swap3A, %swap3A_52], %stack3A_45 {strides = array<i32>} : memref<2x128xf32, #tpu.memory_space<vmem>>, vector<2x128xf32>,
    } else {
    }
    %gt3A = arith.constant 0 : i32
    %gt3A_48 = arith.cmpi sgt, %arg0, %gt3A : i32
    %convert_element_type3A_49 = arith.extui %gt3A_48 : i1 to i32
    %cond3A_50 = arith.constant 0 : i32
    %cond3A_51 = arith.cmpi ne, %convert_element_type3A_49, %cond3A_50 : i32
    scf.if %cond3A_51 {
      %get3A_52 = arith.constant 0 : index
      %get3A_53 = arith.constant 0 : index
      %get3A_54 = vector.load %arg5[%get3A_52, %get3A_53] : memref<2x128xf32, #tpu.memory_space<vmem>>, vector<2x128xf32>
      %add3A_55 = arith.addf %get3A_54, %stack3A_45 : vector<2x128xf32>
      %swap3A = arith.constant 0 : index
      %swap3A_56 = arith.constant 0 : index
      %swap3A_57 = vector.load %arg5[%swap3A, %swap3A_56] : memref<2x128xf32, #tpu.memory_space<vmem>>, vector<2x128xf32>
      tpu.vector_store %arg5[%swap3A, %swap3A_56], %add3A_55 {strides = array<i32>} : memref<2x128xf32, #tpu.memory_space<vmem>>, vector<2x128xf32>,
    } else {
    }
    return
  }
  func.func @transform_0(%arg0: i32) -> (i32, i32) {
    %c0_i32 = arith.constant 0 : i32
    %c0_i32_0 = arith.constant 0 : i32
    return %arg0, %c0_i32 : i32, i32
  }
  func.func @transform_1(%arg0: i32) -> (i32, i32) {
    %c0_i32 = arith.constant 0 : i32
    %c0_i32_0 = arith.constant 0 : i32
    %c0_i32_1 = arith.constant 0 : i32
    return %c0_i32, %c0_i32_0 : i32, i32
  }
  func.func @transform_2(%arg0: i32) -> (i32, i32) {
    %c0_i32 = arith.constant 0 : i32
    %c0_i32_0 = arith.constant 0 : i32
    %c0_i32_1 = arith.constant 0 : i32
    return %c0_i32, %c0_i32_0 : i32, i32
  }
  func.func @transform_3(%arg0: i32) -> (i32, i32) {
    %c0_i32 = arith.constant 0 : i32
    %c0_i32_0 = arith.constant 0 : i32
    %c0_i32_1 = arith.constant 0 : i32
    return %c0_i32, %c0_i32_0 : i32, i32
  }
  func.func @transform_4(%arg0: i32) -> (i32, i32) {
    %c0_i32 = arith.constant 0 : i32
    %c0_i32_0 = arith.constant 0 : i32
    %c0_i32_1 = arith.constant 0 : i32
    return %c0_i32, %c0_i32_0 : i32, i32
  }
}

module attributes {stable_mosaic.version = 14 : i64} {
  func.func @_apply_body(%arg0: i32, %arg1: memref<8000x128xf32, #tpu.memory_space<vmem>>, %arg2: memref<2x128xf32, #tpu.memory_space<vmem>>, %arg3: memref<128x2xf32, #tpu.memory_space<vmem>>, %arg4: memref<1x128xf32, #tpu.memory_space<vmem>>, %arg5: memref<1x128xf32, #tpu.memory_space<vmem>>, %arg6: memref<1x128xf32, #tpu.memory_space<vmem>>, %arg7: memref<1x128xf32, #tpu.memory_space<vmem>>, %arg8: memref<1x128xf32, #tpu.memory_space<vmem>>, %arg9: memref<1x1xf32, #tpu.memory_space<vmem>>, %arg10: memref<8000x2xf32, #tpu.memory_space<vmem>>) attributes {dimension_semantics = [#tpu.dimension_semantics<arbitrary>], iteration_bounds = array<i64: 20>, scalar_prefetch = 0 : i64, scratch_operands = 0 : i64, tpu.core_type = #tpu.core_type<tc>, window_params = [{transform_indices = @transform_0, window_bounds = array<i64: 8000, 128>}, {pipeline_mode = #tpu.pipeline_mode<synchronous>, transform_indices = @transform_1, window_bounds = array<i64: 2, 128>}, {pipeline_mode = #tpu.pipeline_mode<synchronous>, transform_indices = @transform_2, window_bounds = array<i64: 128, 2>}, {pipeline_mode = #tpu.pipeline_mode<synchronous>, transform_indices = @transform_3, window_bounds = array<i64: 1, 128>}, {pipeline_mode = #tpu.pipeline_mode<synchronous>, transform_indices = @transform_4, window_bounds = array<i64: 1, 128>}, {pipeline_mode = #tpu.pipeline_mode<synchronous>, transform_indices = @transform_5, window_bounds = array<i64: 1, 128>}, {pipeline_mode = #tpu.pipeline_mode<synchronous>, transform_indices = @transform_6, window_bounds = array<i64: 1, 128>}, {pipeline_mode = #tpu.pipeline_mode<synchronous>, transform_indices = @transform_7, window_bounds = array<i64: 1, 128>}, {pipeline_mode = #tpu.pipeline_mode<synchronous>, transform_indices = @transform_8, window_bounds = array<i64: 1, 1>}, {transform_indices = @transform_9, window_bounds = array<i64: 8000, 2>}]} {
    %get3A = arith.constant 0 : index
    %get3A_0 = arith.constant 0 : index
    %get3A_1 = vector.load %arg1[%get3A, %get3A_0] : memref<8000x128xf32, #tpu.memory_space<vmem>>, vector<8000x128xf32>
    %get3A_2 = arith.constant 0 : index
    %get3A_3 = arith.constant 0 : index
    %get3A_4 = vector.load %arg3[%get3A_2, %get3A_3] : memref<128x2xf32, #tpu.memory_space<vmem>>, vector<128x2xf32>
    %get3A_5 = arith.constant 0 : index
    %get3A_6 = arith.constant 0 : index
    %get3A_7 = vector.load %arg4[%get3A_5, %get3A_6] : memref<1x128xf32, #tpu.memory_space<vmem>>, vector<1x128xf32>
    %get3A_8 = arith.constant 0 : index
    %get3A_9 = arith.constant 0 : index
    %get3A_10 = vector.load %arg5[%get3A_8, %get3A_9] : memref<1x128xf32, #tpu.memory_space<vmem>>, vector<1x128xf32>
    %dot_general3A = arith.constant dense<0.000000e+00> : vector<8000x2xf32>
    %dot_general3A_11 = tpu.matmul %get3A_1, %get3A_4, %dot_general3A {dimension_numbers = #tpu.dot_dimension_numbers<[1], [0], [0], [1], [0, 0, 1, 1], [], []>, transpose_lhs_hint = false} : vector<8000x128xf32>, vector<128x2xf32>, vector<8000x2xf32> -> vector<8000x2xf32>
    %mul3A = arith.constant 1.562500e-02 : f32
    %mul3A_12 = vector.broadcast %mul3A : f32 to vector<8000x2xf32>
    %mul3A_13 = arith.mulf %dot_general3A_11, %mul3A_12 : vector<8000x2xf32>
    %slice3A = vector.extract_strided_slice %mul3A_13 {offsets = [0, 0], sizes = [8000, 1], strides = [1, 1]} : vector<8000x2xf32> to vector<8000x1xf32>
    %broadcast_in_dim3A = vector.shape_cast %slice3A : vector<8000x1xf32> to vector<8000x1xf32>
    %broadcast_in_dim3A_14 = vector.broadcast %broadcast_in_dim3A : vector<8000x1xf32> to vector<8000x64xf32>
    %slice3A_15 = vector.extract_strided_slice %mul3A_13 {offsets = [0, 1], sizes = [8000, 1], strides = [1, 1]} : vector<8000x2xf32> to vector<8000x1xf32>
    %broadcast_in_dim3A_16 = vector.shape_cast %slice3A_15 : vector<8000x1xf32> to vector<8000x1xf32>
    %broadcast_in_dim3A_17 = vector.broadcast %broadcast_in_dim3A_16 : vector<8000x1xf32> to vector<8000x64xf32>
    %concatenate3A = tpu.concatenate %broadcast_in_dim3A_14, %broadcast_in_dim3A_17 in 1 : vector<8000x64xf32>, vector<8000x64xf32> -> vector<8000x128xf32>
    %sub3A = arith.subf %get3A_1, %concatenate3A : vector<8000x128xf32>
    %mul3A_18 = arith.mulf %sub3A, %sub3A : vector<8000x128xf32>
    %dot_general3A_19 = arith.constant dense<0.000000e+00> : vector<8000x2xf32>
    %dot_general3A_20 = tpu.matmul %mul3A_18, %get3A_4, %dot_general3A_19 {dimension_numbers = #tpu.dot_dimension_numbers<[1], [0], [0], [1], [0, 0, 1, 1], [], []>, transpose_lhs_hint = false} : vector<8000x128xf32>, vector<128x2xf32>, vector<8000x2xf32> -> vector<8000x2xf32>
    %mul3A_21 = arith.constant 1.562500e-02 : f32
    %mul3A_22 = vector.broadcast %mul3A_21 : f32 to vector<8000x2xf32>
    %mul3A_23 = arith.mulf %dot_general3A_20, %mul3A_22 : vector<8000x2xf32>
    %add3A = arith.constant 9.99999974E-6 : f32
    %add3A_24 = vector.broadcast %add3A : f32 to vector<8000x2xf32>
    %add3A_25 = arith.addf %mul3A_23, %add3A_24 : vector<8000x2xf32>
    %sqrt3A = math.sqrt %add3A_25 : vector<8000x2xf32>
    %div3A = arith.constant 1.000000e+00 : f32
    %div3A_26 = vector.broadcast %div3A : f32 to vector<8000x2xf32>
    %div3A_27 = arith.divf %div3A_26, %sqrt3A : vector<8000x2xf32>
    %slice3A_28 = vector.extract_strided_slice %div3A_27 {offsets = [0, 0], sizes = [8000, 1], strides = [1, 1]} : vector<8000x2xf32> to vector<8000x1xf32>
    %broadcast_in_dim3A_29 = vector.shape_cast %slice3A_28 : vector<8000x1xf32> to vector<8000x1xf32>
    %broadcast_in_dim3A_30 = vector.broadcast %broadcast_in_dim3A_29 : vector<8000x1xf32> to vector<8000x64xf32>
    %slice3A_31 = vector.extract_strided_slice %div3A_27 {offsets = [0, 1], sizes = [8000, 1], strides = [1, 1]} : vector<8000x2xf32> to vector<8000x1xf32>
    %broadcast_in_dim3A_32 = vector.shape_cast %slice3A_31 : vector<8000x1xf32> to vector<8000x1xf32>
    %broadcast_in_dim3A_33 = vector.broadcast %broadcast_in_dim3A_32 : vector<8000x1xf32> to vector<8000x64xf32>
    %concatenate3A_34 = tpu.concatenate %broadcast_in_dim3A_30, %broadcast_in_dim3A_33 in 1 : vector<8000x64xf32>, vector<8000x64xf32> -> vector<8000x128xf32>
    %mul3A_35 = arith.mulf %sub3A, %concatenate3A_34 : vector<8000x128xf32>
    %mul3A_36 = vector.broadcast %get3A_7 : vector<1x128xf32> to vector<8000x128xf32>
    %mul3A_37 = arith.mulf %mul3A_35, %mul3A_36 : vector<8000x128xf32>
    %add3A_38 = vector.broadcast %get3A_10 : vector<1x128xf32> to vector<8000x128xf32>
    %add3A_39 = arith.addf %mul3A_37, %add3A_38 : vector<8000x128xf32>
    %get3A_40 = arith.constant 0 : index
    %get3A_41 = arith.constant 0 : index
    %get3A_42 = vector.load %arg2[%get3A_40, %get3A_41] : memref<2x128xf32, #tpu.memory_space<vmem>>, vector<2x128xf32>
    %slice3A_43 = vector.extract_strided_slice %get3A_42 {offsets = [0, 64], sizes = [2, 64], strides = [1, 1]} : vector<2x128xf32> to vector<2x64xf32>
    %slice3A_44 = vector.extract_strided_slice %get3A_42 {offsets = [0, 0], sizes = [2, 64], strides = [1, 1]} : vector<2x128xf32> to vector<2x64xf32>
    %concatenate3A_45 = tpu.concatenate %slice3A_43, %slice3A_44 in 1 : vector<2x64xf32>, vector<2x64xf32> -> vector<2x128xf32>
    %add3A_46 = arith.addf %get3A_42, %concatenate3A_45 : vector<2x128xf32>
    %slice3A_47 = vector.extract_strided_slice %add3A_46 {offsets = [0, 0], sizes = [1, 128], strides = [1, 1]} : vector<2x128xf32> to vector<1x128xf32>
    %mul3A_48 = arith.constant 3.125000e-06 : f32
    %mul3A_49 = vector.broadcast %mul3A_48 : f32 to vector<1x128xf32>
    %mul3A_50 = arith.mulf %slice3A_47, %mul3A_49 : vector<1x128xf32>
    %slice3A_51 = vector.extract_strided_slice %add3A_46 {offsets = [1, 0], sizes = [1, 128], strides = [1, 1]} : vector<2x128xf32> to vector<1x128xf32>
    %mul3A_52 = arith.constant 3.125000e-06 : f32
    %mul3A_53 = vector.broadcast %mul3A_52 : f32 to vector<1x128xf32>
    %mul3A_54 = arith.mulf %slice3A_51, %mul3A_53 : vector<1x128xf32>
    %mul3A_55 = arith.mulf %mul3A_50, %mul3A_50 : vector<1x128xf32>
    %sub3A_56 = arith.subf %mul3A_54, %mul3A_55 : vector<1x128xf32>
    %sub3A_57 = vector.broadcast %mul3A_50 : vector<1x128xf32> to vector<8000x128xf32>
    %sub3A_58 = arith.subf %add3A_39, %sub3A_57 : vector<8000x128xf32>
    %add3A_59 = arith.constant 9.99999974E-6 : f32
    %add3A_60 = vector.broadcast %add3A_59 : f32 to vector<1x128xf32>
    %add3A_61 = arith.addf %sub3A_56, %add3A_60 : vector<1x128xf32>
    %sqrt3A_62 = math.sqrt %add3A_61 : vector<1x128xf32>
    %div3A_63 = vector.broadcast %sqrt3A_62 : vector<1x128xf32> to vector<8000x128xf32>
    %div3A_64 = arith.divf %sub3A_58, %div3A_63 : vector<8000x128xf32>
    %get3A_65 = arith.constant 0 : index
    %get3A_66 = arith.constant 0 : index
    %get3A_67 = vector.load %arg6[%get3A_65, %get3A_66] : memref<1x128xf32, #tpu.memory_space<vmem>>, vector<1x128xf32>
    %mul3A_68 = vector.broadcast %get3A_67 : vector<1x128xf32> to vector<8000x128xf32>
    %mul3A_69 = arith.mulf %div3A_64, %mul3A_68 : vector<8000x128xf32>
    %get3A_70 = arith.constant 0 : index
    %get3A_71 = arith.constant 0 : index
    %get3A_72 = vector.load %arg7[%get3A_70, %get3A_71] : memref<1x128xf32, #tpu.memory_space<vmem>>, vector<1x128xf32>
    %add3A_73 = vector.broadcast %get3A_72 : vector<1x128xf32> to vector<8000x128xf32>
    %add3A_74 = arith.addf %mul3A_69, %add3A_73 : vector<8000x128xf32>
    %logistic3A = arith.negf %add3A_74 : vector<8000x128xf32>
    %logistic3A_75 = math.exp %logistic3A : vector<8000x128xf32>
    %logistic3A_76 = arith.constant 1.000000e+00 : f32
    %logistic3A_77 = vector.broadcast %logistic3A_76 : f32 to vector<8000x128xf32>
    %logistic3A_78 = arith.addf %logistic3A_77, %logistic3A_75 : vector<8000x128xf32>
    %logistic3A_79 = arith.divf %logistic3A_77, %logistic3A_78 : vector<8000x128xf32>
    %mul3A_80 = arith.mulf %add3A_74, %logistic3A_79 : vector<8000x128xf32>
    %get3A_81 = arith.constant 0 : index
    %get3A_82 = arith.constant 0 : index
    %get3A_83 = vector.load %arg8[%get3A_81, %get3A_82] : memref<1x128xf32, #tpu.memory_space<vmem>>, vector<1x128xf32>
    %mul3A_84 = vector.broadcast %get3A_83 : vector<1x128xf32> to vector<8000x128xf32>
    %mul3A_85 = arith.mulf %mul3A_80, %mul3A_84 : vector<8000x128xf32>
    %get3A_86 = arith.constant 0 : index
    %get3A_87 = arith.constant 0 : index
    %get3A_88 = vector.load %arg3[%get3A_86, %get3A_87] : memref<128x2xf32, #tpu.memory_space<vmem>>, vector<128x2xf32>
    %dot_general3A_89 = arith.constant dense<0.000000e+00> : vector<8000x2xf32>
    %dot_general3A_90 = tpu.matmul %mul3A_85, %get3A_88, %dot_general3A_89 {dimension_numbers = #tpu.dot_dimension_numbers<[1], [0], [0], [1], [0, 0, 1, 1], [], []>, transpose_lhs_hint = false} : vector<8000x128xf32>, vector<128x2xf32>, vector<8000x2xf32> -> vector<8000x2xf32>
    %get3A_91 = arith.constant 0 : index
    %get3A_92 = arith.constant 0 : index
    %get3A_93 = vector.load %arg9[%get3A_91, %get3A_92] : memref<1x1xf32, #tpu.memory_space<vmem>>, vector<1x1xf32>
    %add3A_94 = vector.broadcast %get3A_93 : vector<1x1xf32> to vector<8000x2xf32>
    %add3A_95 = arith.addf %dot_general3A_90, %add3A_94 : vector<8000x2xf32>
    %swap3A = arith.constant 0 : index
    %swap3A_96 = arith.constant 0 : index
    %swap3A_97 = vector.load %arg10[%swap3A, %swap3A_96] : memref<8000x2xf32, #tpu.memory_space<vmem>>, vector<8000x2xf32>
    tpu.vector_store %arg10[%swap3A, %swap3A_96], %add3A_95 {strides = array<i32>} : memref<8000x2xf32, #tpu.memory_space<vmem>>, vector<8000x2xf32>,
    return
  }
  func.func @transform_0(%arg0: i32) -> (i32, i32) {
    %c0_i32 = arith.constant 0 : i32
    %c0_i32_0 = arith.constant 0 : i32
    return %arg0, %c0_i32 : i32, i32
  }
  func.func @transform_1(%arg0: i32) -> (i32, i32) {
    %c0_i32 = arith.constant 0 : i32
    %c0_i32_0 = arith.constant 0 : i32
    %c0_i32_1 = arith.constant 0 : i32
    return %c0_i32, %c0_i32_0 : i32, i32
  }
  func.func @transform_2(%arg0: i32) -> (i32, i32) {
    %c0_i32 = arith.constant 0 : i32
    %c0_i32_0 = arith.constant 0 : i32
    %c0_i32_1 = arith.constant 0 : i32
    return %c0_i32, %c0_i32_0 : i32, i32
  }
  func.func @transform_3(%arg0: i32) -> (i32, i32) {
    %c0_i32 = arith.constant 0 : i32
    %c0_i32_0 = arith.constant 0 : i32
    %c0_i32_1 = arith.constant 0 : i32
    return %c0_i32, %c0_i32_0 : i32, i32
  }
  func.func @transform_4(%arg0: i32) -> (i32, i32) {
    %c0_i32 = arith.constant 0 : i32
    %c0_i32_0 = arith.constant 0 : i32
    %c0_i32_1 = arith.constant 0 : i32
    return %c0_i32, %c0_i32_0 : i32, i32
  }
  func.func @transform_5(%arg0: i32) -> (i32, i32) {
    %c0_i32 = arith.constant 0 : i32
    %c0_i32_0 = arith.constant 0 : i32
    %c0_i32_1 = arith.constant 0 : i32
    return %c0_i32, %c0_i32_0 : i32, i32
  }
  func.func @transform_6(%arg0: i32) -> (i32, i32) {
    %c0_i32 = arith.constant 0 : i32
    %c0_i32_0 = arith.constant 0 : i32
    %c0_i32_1 = arith.constant 0 : i32
    return %c0_i32, %c0_i32_0 : i32, i32
  }
  func.func @transform_7(%arg0: i32) -> (i32, i32) {
    %c0_i32 = arith.constant 0 : i32
    %c0_i32_0 = arith.constant 0 : i32
    %c0_i32_1 = arith.constant 0 : i32
    return %c0_i32, %c0_i32_0 : i32, i32
  }
  func.func @transform_8(%arg0: i32) -> (i32, i32) {
    %c0_i32 = arith.constant 0 : i32
    %c0_i32_0 = arith.constant 0 : i32
    %c0_i32_1 = arith.constant 0 : i32
    return %c0_i32, %c0_i32_0 : i32, i32
  }
  func.func @transform_9(%arg0: i32) -> (i32, i32) {
    %c0_i32 = arith.constant 0 : i32
    %c0_i32_0 = arith.constant 0 : i32
    return %arg0, %c0_i32 : i32, i32
  }
}

</mosaic_0001>

<sc_bundles>
// kernel: kernel.6.cloned.1.call-start
scs
__scs_entry_jumppad:
0x0: {  	(pc) =	sbr.rel $0x88, $3  }
0x1: {  	(tag) =	ssettag $0x0;
	lr =	simm.s32 $0x1  }
0x2: {  	[smem:$0x3F97] =	sst lr;
	_ =	strace $0xD0000000  }
0x3: {  	_ = 	snop  }
0x4: {  	_ = 	snop  }
0x5: {  	_ = 	snop  }
0x6: {  	_ = 	snop  }
0x7: {  	_ = 	snop  }
__scs_overlays_trampoline_lowered:
0x8: {  	[smem:$0x3FA6] =	sst s0  }
0x9: {  	[smem:$0x3FA7] =	sst s1  }
0xa: {  	[smem:$0x3FA8] =	sst s2  }
0xb: {  	[smem:$0x3FA9] =	sst s3  }
0xc: {  	[smem:$0x3FAA] =	sst s4  }
0xd: {  	[smem:$0x3FAB] =	sst s5  }
0xe: {  	[smem:$0x3FAC] =	sst s6  }
0xf: {  	[smem:$0x3FAD] =	sst s7  }
0x10: {  	[smem:$0x3FAE] =	sst s8  }
0x11: {  	[smem:$0x3FAF] =	sst s9;
	s0 =	simm.s32 @!p0 $0x0  }
0x12: {  	s1 =	sld [smem:$0x3F95];
	s0 =	simm.s32 @p0 $0x1  }
0x13: {  	[smem:$0x3FB0] =	sst s0;
	s0 =	simm.s32 @!p1 $0x0  }
0x14: {  	s2 =	sld [smem:$0x3F94];
	s0 =	simm.s32 @p1 $0x1  }
0x15: {  	[smem:$0x3FB1] =	sst s0;
	s0 =	simm.s32 @!p2 $0x0  }
0x16: {  	s3 =	sld [smem:$0x3FDB];
	s0 =	simm.s32 @p2 $0x1  }
0x17: {  	s4 =	simm.s32 $0x1BF5;
	[smem:$0x3FB3] =	sst s0  }
0x18: {  	s0 =	sld [smem:$0x3F96];
	_ =	swait.ge [sflag:s4], $0x0  }
0x19: {  	s7 =	sld [smem:$0x3F97]  }
0x1a: {  	s8 =	sadd.s32 $0xFFFFE003, lr  }
0x1b: {  	s9 =	sadd.s32 $0xFFFFFEF7, lr;
	s5 =	simm.s32 $0xFFFFFFFF;
	p2 =	slt.u32 s8, $0xFFFFF086  }
0x1c: {  	p1 =	slt.u32 s9, $0xF7A;
	s5 =	simm.s32 @!p2 $0x0  }
0x1d: {  	s5 =	simm.s32 @p1 $0x1;
	p0 =	seq.s32 s7, s2  }
0x1e: {  	s7 =	smul.u32 @!p0 $0xF7A, s2;
	p2 =	seq.s32 @!p0 s5, $0x0  }
0x1f: {  	s9 =	smul.u32 $0xF7A, s1;
	s8 =	simm.s32 @!p0 $0x1BF5;
	p2 =	por !p2, p0  }
0x20: {  	[sflag:s8] =	ssyncset.s32 @!p0 $0xFFFFF086;
	s6 =	sadd.s32 @!p0 s3, s7;
	s7 =	simm.s32 @!p0 $0x108  }
0x21: {  	s3 =	sadd.s32 s3, s9;
	s6 =	sadd.s32 @!p0 $0x88, s6;
	s7 =	simm.s32 @p2 $0x1082  }
0x22: {  	[simem:s7], [sflag:s8] =	dma.local @!p0 [hbm:s6], $0xF7A  }
0x23: {  	s9 =	sor.u32 $0xD0000000, s2;
	s6 =	simm.s32 $0x108;
	_ =	swait.ge @!p0 [sflag:s8], $0x0  }
0x24: {  	s3 =	sadd.s32 $0x88, s3;
	s6 =	simm.s32 @!p1 $0x1082;
	[sflag:s4] =	ssyncset.s32 $0xFFFFF086  }
0x25: {  	[simem:s6], [sflag:s4] =	dma.local [hbm:s3], $0xF7A  }
0x26: {  	[smem:$0x3F97] =	sst s1;
	(tag) =	ssettag s2;
	_ =	strace s9  }
0x27: {  	s1 =	sld [smem:$0x3FA7]  }
0x28: {  	s2 =	sld [smem:$0x3FA8]  }
0x29: {  	s4 =	sld [smem:$0x3FAA]  }
0x2a: {  	p0 =	seq.s32 s5, $0x0;
	s5 =	sld [smem:$0x3FAB]  }
0x2b: {  	s6 =	sld [smem:$0x3FAC]  }
0x2c: {  	s7 =	sld [smem:$0x3FAD]  }
0x2d: {  	s3 =	simm.s32 $0x108;
	s8 =	sld [smem:$0x3FAE]  }
0x2e: {  	s3 =	simm.s32 @!p0 $0x1082;
	s9 =	sld [smem:$0x3FAF]  }
0x2f: {  	lr =	sadd.s32 s0, s3;
	s0 =	sld [smem:$0x3FA6]  }
0x30: {  	s3 =	sld [smem:$0x3FA9]  }
0x31: {  	[smem:$0x3FB2] =	sst s10  }
0x32: {  	s10 =	sld [smem:$0x3FB0];
	_ =	sdelay $0x3  }
0x33: {  	p0 =	seq.s32 s10, $0x1;
	s10 =	sld [smem:$0x3FB2];
	_ =	sdelay $0x3  }
0x34: {  	[smem:$0x3FB2] =	sst s10  }
0x35: {  	s10 =	sld [smem:$0x3FB1];
	_ =	sdelay $0x3  }
0x36: {  	p1 =	seq.s32 s10, $0x1;
	s10 =	sld [smem:$0x3FB2];
	_ =	sdelay $0x3  }
0x37: {  	[smem:$0x3FB2] =	sst s10  }
0x38: {  	s10 =	sld [smem:$0x3FB3]  }
0x39: {  	_ = 	snop;
	(pc) =	sbr.ind lr, $3  }
0x3a: {  	_ = 	snop  }
0x3b: {  	_ = 	snop  }
0x3c: {  	p2 =	seq.s32 s10, $0x1;
	s10 =	sld [smem:$0x3FB2]  }
0x3d: {  	_ =	shalt  }
0x3e: {  	_ =	shalt  }
0x3f: {  	_ =	shalt  }
0x40: {  	_ =	shalt  }
0x41: {  	_ =	shalt  }
0x42: {  	_ =	shalt  }
0x43: {  	_ =	shalt  }
0x44: {  	_ =	shalt  }
0x45: {  	_ =	shalt  }
0x46: {  	_ =	shalt  }
0x47: {  	_ =	shalt  }
0x48: {  	_ =	shalt  }
0x49: {  	_ =	shalt  }
0x4a: {  	_ =	shalt  }
0x4b: {  	_ =	shalt  }
0x4c: {  	_ =	shalt  }
0x4d: {  	_ =	shalt  }
0x4e: {  	_ =	shalt  }
0x4f: {  	_ =	shalt  }
0x50: {  	_ =	shalt  }
0x51: {  	_ =	shalt  }
0x52: {  	_ =	shalt  }
0x53: {  	_ =	shalt  }
0x54: {  	_ =	shalt  }
0x55: {  	_ =	shalt  }
0x56: {  	_ =	shalt  }
0x57: {  	_ =	shalt  }
0x58: {  	_ =	shalt  }
0x59: {  	_ =	shalt  }
0x5a: {  	_ =	shalt  }
0x5b: {  	_ =	shalt  }
0x5c: {  	_ =	shalt  }
0x5d: {  	_ =	shalt  }
0x5e: {  	_ =	shalt  }
0x5f: {  	_ =	shalt  }
0x60: {  	_ =	shalt  }
0x61: {  	_ =	shalt  }
0x62: {  	_ =	shalt  }
0x63: {  	_ =	shalt  }
0x64: {  	_ =	shalt  }
0x65: {  	_ =	shalt  }
0x66: {  	_ =	shalt  }
0x67: {  	_ =	shalt  }
0x68: {  	_ =	shalt  }
0x69: {  	_ =	shalt  }
0x6a: {  	_ =	shalt  }
0x6b: {  	_ =	shalt  }
0x6c: {  	_ =	shalt  }
0x6d: {  	_ =	shalt  }
0x6e: {  	_ =	shalt  }
0x6f: {  	_ =	shalt  }
0x70: {  	_ =	shalt  }
0x71: {  	_ =	shalt  }
0x72: {  	_ =	shalt  }
0x73: {  	_ =	shalt  }
0x74: {  	_ =	shalt  }
0x75: {  	_ =	shalt  }
0x76: {  	_ =	shalt  }
0x77: {  	_ =	shalt  }
0x78: {  	_ =	shalt  }
0x79: {  	_ =	shalt  }
0x7a: {  	_ =	shalt  }
0x7b: {  	_ =	shalt  }
0x7c: {  	_ =	shalt  }
0x7d: {  	_ =	shalt  }
0x7e: {  	_ =	shalt  }
0x7f: {  	_ =	shalt  }
0x80: {  	_ =	shalt  }
0x81: {  	_ =	shalt  }
0x82: {  	_ =	shalt  }
0x83: {  	_ =	shalt  }
0x84: {  	_ =	shalt  }
0x85: {  	_ =	shalt  }
0x86: {  	_ =	shalt  }
0x87: {  	_ =	shalt  }
.Lfunc_end0:
.L_simem_size_0:
called_computation_lowered:
.L_overlay_start_0:
0x88: {  	s2 =	sld [smem:$0x3FD9]  }
0x89: {  	s3 =	sld [smem:$0x3FFE];
	_ =	sdelay $0x1  }
0x8a: {  	s1 =	srdreg.scid  }
0x8b: {  	s0 =	sand.u32 $0x1, s1  }
0x8c: {  	s17 =	sshll.u32 s0, $0xA;
	s2 =	sadd.s32 s3, s2  }
0x8d: {  	s2 =	sadd.s32 s2, s17  }
0x8e: {  	[smem:$0x3FBE] =	sst s2  }
0x8f: {  	_ = 	snop  }
0x90: {  	s2 =	sld [smem:$0x3FD0];
	(tm) =	ssettm $0x1  }
0x91: {  	s18 =	sld [smem:$0x3FFB];
	_ =	sdelay $0x3  }
0x92: {  	_ =	strace s18  }
0x93: {  	s3 =	sld [smem:$0x3FFC];
	_ =	sdelay $0x3  }
0x94: {  	_ =	strace s3  }
0x95: {  	s3 =	sld [smem:$0x3FFD];
	_ =	sdelay $0x3  }
0x96: {  	_ =	strace s3  }
0x97: {  	_ =	strace $0x8FFFFFFF  }
0x98: {  	s19 =	sld [smem:$0x3FDB];
	_ =	sdelay $0x1  }
0x99: {  	s4 =	simm.s32 $_scs_section_size  }
0x9a: {  	s5 =	simm.s32 $_size__tile_overlayer_lowered;
	s6 =	simm.s32 $_tile_overlayer_lowered  }
0x9b: {  	s22 =	simm.s32 $0x1BFF;
	s21 =	sshll.u32 s6, $0x1;
	s3 =	sadd.s32 s4, s19  }
0x9c: {  	s7 =	simm.s32 $0x0;
	s20 =	sshll.u32 s5, $0x1;
	s5 =	sadd.s32 s21, s3  }
0x9d: {  	[timem:s7], [sflag:s22] =	dma.local [hbm:s5], s20  }
0x9e: {  	_ =	swait.ge [sflag:s22], s20  }
0x9f: {  	s4 =	ssub.s32 $0x0, s20;
	[sflag:s22] =	ssyncset.done $0x0  }
0xa0: {  	[sflag:s22] =	ssyncadd.s32 s4;
	_ =	sdelay $0x1  }
0xa1: {  	s23 =	simm.s32 $0x1B8B  }
0xa2: {  	_ =	swait.ge [sflag:s23], $0x1  }
0xa3: {  	[sflag:s23] =	ssyncset.done $0x0  }
0xa4: {  	s25 =	simm.s32 $0x1B8E;
	s24 =	sld [smem:$0x3FFE];
	[sflag:s23] =	ssyncadd.s32 $0xFFFFFFFF  }
0xa5: {  	s26 =	simm.s32 $execute0_lowered;
	[smem:$0x3FD2] =	sst s25  }
0xa6: {  	s5 =	sshll.u32 s26, $0x1;
	_ =	strace $0x80000046;
	[dreg:$0x1] =	wrdreg $0xFFFFFFFF  }
0xa7: {  	s28 =	simm.s32 $_size_execute0_lowered;
	s3 =	sadd.s32 s3, s5;
	[dreg:$0x0] =	wrdreg $0x0  }
0xa8: {  	s5 =	sshll.u32 s28, $0x1;
	[dreg:$0x2] =	wrdreg s3  }
0xa9: {  	[dreg:$0x3] =	wrdreg s5  }
0xaa: {  	[dreg:$0x4] =	wrdreg $0xC0  }
0xab: {  	_ =	task [dreg:s7], $0x5FFFF  }
0xac: {  	[dreg:$0x1] =	wrdreg $0xFFFFFFFF  }
0xad: {  	[dreg:$0x0] =	wrdreg $0x60  }
0xae: {  	[dreg:$0x2] =	wrdreg s24  }
0xaf: {  	[dreg:$0x3] =	wrdreg s2  }
0xb0: {  	[dreg:$0x4] =	wrdreg $0x9  }
0xb1: {  	_ =	task.clear_ibuf [dreg:s7], $0x5FFFF;
	_ =	strace $0x90000046  }
0xb2: {  	s29 =	simm.s32 $0x9;
	_ =	strace $0x80000048  }
0xb3: {  	_ =	swait.ge [sflag:s29], $0x1  }
0xb4: {  	[sflag:s29] =	ssyncadd.s32 $0xFFFFFFFF  }
0xb5: {  	_ =	strace $0x90000048  }
0xb6: {  	_ =	sfence  }
0xb7: {  	s30 =	sld [smem:$0x0];
	_ =	sdelay $0x2  }
0xb8: {  	s31 =	sshll.u32 s1, $0xD;
	s1 =	sshrl.u32 s1, $0x2  }
0xb9: {  	s3 =	sand.u32 $0x4000, s31;
	s1 =	sadd.s32 s1, s30  }
0xba: {  	s0 =	sor.u32 s3, s0;
	s1 =	sshll.u32 s1, $0x11  }
0xbb: {  	s0 =	sor.u32 s1, s0  }
0xbc: {  	s0 =	sadd.s32 $0x8F2B, s0  }
0xbd: {  	[sflag:s0] =	ssyncadd.remote.s32 $0x1  }
0xbe: {  	_ =	sfence.sel $0xFFFF  }
0xbf: {  	[dreg:$0x0] =	wrdreg $0xFFFFFFFF;
	(pc) =	sbr.abs _section_cstart, $3  }
0xc0: {  	[dreg:$0x1] =	wrdreg $0xFFFFFFFF  }
0xc1: {  	_ =	task.clear_ibuf [dreg:s7], $0x2FFFF;
	_ =	strace $0x9FFFFFFF  }
0xc2: {  	(tm) =	ssettm $0x7FFFFFFF  }
0xc3: {  	_ =	shalt  }
tec
execute0_lowered:
.L_overlay_start_1:
0x0: {  	(tag) =	ssettag $0x1  }
0x1: {  	s5 =	rddreg [dreg:$0x0]  }
0x2: {  	s6 =	rddreg [dreg:$0x1]  }
0x3: {  	s0 =	rddreg [dreg:$0x2];
	s1 =	simm.s32 $0x0;
	s4 =	srdreg.scid  }
0x4: {  	s2 =	stileid.u32;
	[smem:$0x7FF] =	sst s1  }
0x5: {  	s3 =	sadd.s32 $0xB000, s5;
	s10 =	sand.u32 $0x1, s4;
	s4 =	sadd.s32 $0x1EA00, s5  }
0x6: {  	s7 =	sshll.u32 s2, $0x5;
	s11 =	sshll.u32 s2, $0xB;
	_ =	strace $0x80000047  }
0x7: {  	s8 =	ssub.s32 $0x2, s10;
	s9 =	sadd.s32 s7, s5;
	s11 =	sadd.s32 s11, s5  }
0x8: {  	s5 =	sshll.u32 s2, $0x1;
	s7 =	sadd.s32 s7, s6;
	s29 =	sshll.u32 s10, $0x4  }
0x9: {  	s13 =	sshll.u32 s10, $0xA;
	s10 =	sor.u32 $0x20, s10;
	s12 =	sshrl.u32 s8, $0x1  }
0xa: {  	s30 =	sadd.s32 s29, s9;
	s31 =	sadd.s32 s13, s11;
	s7 =	sadd.s32 s29, s7  }
0xb: {  	s11 =	simm.s32 $0x3;
	s8 =	ssub.s32 s8, s12;
	s9 =	sadd.s32 $0x3A400, s31  }
0xc: {  	s12 =	simm.s32 $0x4;
	s6 =	smax.u32 s8, $0x1;
	s8 =	sadd.s32 $0x1200, s30  }
.LBB2_1:
0xd: {  	p1 =	sgt.u32 s5, $0x9C3  }
0xe: {  	p0 =	por @!p1 $0x1, $0x1;
	s13 =	sadd.s32 @!p1 $0x0, s8;
	s14 =	simm.s32 @!p1 $0x0  }
0xf: {  	[tilespmem:s14], [sflag:$0x1] =	stream.linear.gather @!p1 [hbm4b:s13+s14], $0x80, $0x38;
	[tilespmem:$0x4200] =	vst v63  }
0x10: {  	s15 =	simm.s32 @!p1 $0x100;
	s13 =	sadd.s32 @!p1 $0x0, s7;
	p0 =	por p0, p1  }
0x11: {  	[tilespmem:s15], [sflag:$0x1] =	stream.linear.gather @!p1 [hbm4b:s13+s14], $0x80, $0x38;
	[tilespmem:$0x4200] =	vst v63  }
0x12: {  	s13 =	simm.s32 @!p0 $0x3  }
0x13: {  	_ =	swait.ge @!p0 [sflag:s13], $0x2000  }
0x14: {  	[sflag:s13] =	ssyncset.done @!p0 $0x0  }
0x15: {  	s16 =	simm.s32 @!p1 $0x1;
	[sflag:s13] =	ssyncadd.s32 @!p0 $0xFFFFE000  }
0x16: {  	_ =	swait.ge @!p1 [sflag:s16], $0x80  }
0x17: {  	[sflag:s16] =	ssyncset.done @!p1 $0x0  }
0x18: {  	[sflag:s16] =	ssyncadd.s32 @!p1 $0xFFFFFF80  }
0x19: {  	_ =	swait.ge @!p1 [sflag:s16], $0x80  }
0x1a: {  	s17 =	simm.s32 @!p1 $0x200;
	[sflag:s16] =	ssyncset.done @!p1 $0x0  }
0x1b: {  	s18 =	simm.s32 @!p1 $0x80;
	s13 =	simm.s32 @!p1 $0x2;
	[sflag:s16] =	ssyncadd.s32 @!p1 $0xFFFFFF80  }
0x1c: {  	[tilespmem:s17], [sflag:$0x2] =	stream.indirect.gather @!p1 [hbm4b:s3+s18], $0x40, s14, s18, $0xb8;
	[tilespmem:$0x4200] =	vst v63  }
0x1d: {  	s31 =	sadd.s32 s5, s10;
	_ =	swait.ge @!p1 [sflag:s13], $0x2000  }
0x1e: {  	p0 =	sgt.u32 s31, $0x9C3;
	[sflag:s13] =	ssyncset.done @!p1 $0x0  }
0x1f: {  	s20 =	simm.s32 @!p0 $0x80;
	s16 =	sadd.s32 @!p0 $0x0, s7;
	[sflag:s13] =	ssyncadd.s32 @!p1 $0xFFFFE000  }
0x20: {  	[tilespmem:s17], [sflag:$0x2] =	stream.indirect.gather.add.f32 @!p1 [hbm:s4], $0x40, s15, s18, $0xb8;
	[tilespmem:$0x4200] =	vst v63  }
0x21: {  	s19 =	simm.s32 @!p0 $0x180;
	s21 =	sadd.s32 @!p0 $0x200, s16;
	_ =	swait.ge @!p1 [sflag:s13], $0x2000  }
0x22: {  	s16 =	sadd.s32 $0x40, s5;
	s15 =	sadd.s32 @!p0 $0x0, s8;
	[sflag:s13] =	ssyncset.done @!p1 $0x0  }
0x23: {  	s18 =	simm.s32 @!p0 $0x0;
	[sflag:s13] =	ssyncadd.s32 @!p1 $0xFFFFE000;
	s13 =	sadd.s32 @!p1 $0xFFFF8000, s9  }
0x24: {  	[hbm4b:s13+s14] =	stream.linear.scatter @!p1 [tilespmem:s17], [sflag:$0x3], $0x2000, $0x38;
	[tilespmem:$0x4200] =	vst v63  }
0x25: {  	s15 =	sadd.s32 @!p0 $0x200, s15;
	p1 =	por @!p0 $0x1, $0x1;
	s14 =	simm.s32 $0x400  }
0x26: {  	[tilespmem:s20], [sflag:$0x1] =	stream.linear.gather @!p0 [hbm4b:s15+s18], $0x80, $0x38;
	[tilespmem:$0x4200] =	vst v63  }
0x27: {  	s13 =	smov.u32 s9;
	p3 =	por p1, p0;
	s15 =	sadd.s32 $0x10000, s9  }
.LBB2_2:
0x28: {  	p1 =	sgt.u32 s16, $0x9C3  }
0x29: {  	s22 =	simm.s32 @!p3 $0x4;
	s17 =	smov.u32 s14;
	s14 =	sadd.s32 $0x400, s14  }
0x2a: {  	[tilespmem:s19], [sflag:$0x1] =	stream.linear.gather @!p0 [hbm4b:s21+s18], $0x80, $0x38;
	[tilespmem:$0x4200] =	vst v63  }
0x2b: {  	p4 =	seq.s32 @!p1 s17, $0x0;
	s21 =	simm.s32 @!p0 $0x1;
	_ =	swait.ge @!p3 [sflag:s22], $0x2000  }
0x2c: {  	p2 =	sne.s32 s14, $0xA000;
	[sflag:s22] =	ssyncset.done @!p3 $0x0  }
0x2d: {  	[sflag:s22] =	ssyncadd.s32 @!p3 $0xFFFFE000  }
0x2e: {  	_ =	swait.ge @!p0 [sflag:s21], $0x80  }
0x2f: {  	[sflag:s21] =	ssyncset.done @!p0 $0x0  }
0x30: {  	[sflag:s21] =	ssyncadd.s32 @!p0 $0xFFFFFF80  }
0x31: {  	_ =	swait.ge @!p0 [sflag:s21], $0x80  }
0x32: {  	[sflag:s21] =	ssyncset.done @!p0 $0x0  }
0x33: {  	s22 =	simm.s32 @!p0 $0x2;
	[sflag:s21] =	ssyncadd.s32 @!p0 $0xFFFFFF80;
	s21 =	simm.s32 @!p0 $0x2200  }
0x34: {  	[tilespmem:s21], [sflag:$0x2] =	stream.indirect.gather @!p0 [hbm4b:s3+s20], $0x40, s20, s20, $0xb8;
	[tilespmem:$0x4200] =	vst v63  }
0x35: {  	_ =	swait.ge @!p0 [sflag:s22], $0x2000  }
0x36: {  	[sflag:s22] =	ssyncset.done @!p0 $0x0  }
0x37: {  	[sflag:s22] =	ssyncadd.s32 @!p0 $0xFFFFE000  }
0x38: {  	[tilespmem:s21], [sflag:$0x2] =	stream.indirect.gather.add.f32 @!p0 [hbm:s4], $0x40, s19, s20, $0xb8;
	[tilespmem:$0x4200] =	vst v63  }
0x39: {  	_ =	swait.ge @!p0 [sflag:s22], $0x2000  }
0x3a: {  	[sflag:s22] =	ssyncset.done @!p0 $0x0  }
0x3b: {  	[sflag:s22] =	ssyncadd.s32 @!p0 $0xFFFFE000  }
0x3c: {  	[hbm4b:s13+s18] =	stream.linear.scatter @!p0 [tilespmem:s21], [sflag:$0x4], $0x2000, $0x38;
	[tilespmem:$0x4200] =	vst v63  }
0x3d: {  	s20 =	simm.s32 @!p1 $0x0;
	s18 =	sadd.s32 @!p1 s17, s8;
	s13 =	smov.u32 s15  }
0x3e: {  	[tilespmem:s20], [sflag:$0x1] =	stream.linear.gather @!p1 [hbm4b:s18+s20], $0x80, $0x38;
	[tilespmem:$0x4200] =	vst v63  }
0x3f: {  	s22 =	simm.s32 @!p1 $0x100;
	p0 =	por p4, p1;
	s18 =	sadd.s32 @!p1 s17, s7  }
0x40: {  	[tilespmem:s22], [sflag:$0x1] =	stream.linear.gather @!p1 [hbm4b:s18+s20], $0x80, $0x38;
	[tilespmem:$0x4200] =	vst v63  }
0x41: {  	s18 =	simm.s32 @!p0 $0x3  }
0x42: {  	s19 =	simm.s32 @!p1 $0x1;
	_ =	swait.ge @!p0 [sflag:s18], $0x2000  }
0x43: {  	[sflag:s18] =	ssyncset.done @!p0 $0x0  }
0x44: {  	[sflag:s18] =	ssyncadd.s32 @!p0 $0xFFFFE000  }
0x45: {  	_ =	swait.ge @!p1 [sflag:s19], $0x80  }
0x46: {  	[sflag:s19] =	ssyncset.done @!p1 $0x0  }
0x47: {  	s18 =	simm.s32 @!p1 $0x2;
	[sflag:s19] =	ssyncadd.s32 @!p1 $0xFFFFFF80  }
0x48: {  	s23 =	simm.s32 @!p1 $0x200;
	s21 =	sadd.s32 s16, s10;
	_ =	swait.ge @!p1 [sflag:s19], $0x80  }
0x49: {  	s24 =	simm.s32 @!p1 $0x80;
	p0 =	sgt.u32 s21, $0x9C3;
	[sflag:s19] =	ssyncset.done @!p1 $0x0  }
0x4a: {  	s21 =	sadd.s32 @!p0 s17, s7;
	[sflag:s19] =	ssyncadd.s32 @!p1 $0xFFFFFF80;
	s19 =	sadd.s32 @!p0 s17, s8  }
0x4b: {  	[tilespmem:s23], [sflag:$0x2] =	stream.indirect.gather @!p1 [hbm4b:s3+s24], $0x40, s20, s24, $0xb8;
	[tilespmem:$0x4200] =	vst v63  }
0x4c: {  	p3 =	seq.s32 @!p0 s17, $0x0;
	s25 =	sadd.s32 @!p0 $0x200, s19;
	_ =	swait.ge @!p1 [sflag:s18], $0x2000  }
0x4d: {  	s21 =	sadd.s32 @!p0 $0x200, s21;
	p3 =	por p3, p0;
	[sflag:s18] =	ssyncset.done @!p1 $0x0  }
0x4e: {  	s19 =	simm.s32 @!p0 $0x180;
	[sflag:s18] =	ssyncadd.s32 @!p1 $0xFFFFE000  }
0x4f: {  	[tilespmem:s23], [sflag:$0x2] =	stream.indirect.gather.add.f32 @!p1 [hbm:s4], $0x40, s22, s24, $0xb8;
	[tilespmem:$0x4200] =	vst v63  }
0x50: {  	_ =	swait.ge @!p1 [sflag:s18], $0x2000  }
.Ltmp0:
0x51: {  	[sflag:s18] =	ssyncset.done @!p1 $0x0;
	(pc) =	sbr.rel @p2 .LBB2_2-.Ltmp0, $4  }
0x52: {  	s15 =	sadd.s32 $0x10000, s15;
	s17 =	sadd.s32 @!p1 $0xFFFF8000, s13;
	[sflag:s18] =	ssyncadd.s32 @!p1 $0xFFFFE000  }
0x53: {  	[hbm4b:s17+s20] =	stream.linear.scatter @!p1 [tilespmem:s23], [sflag:$0x3], $0x2000, $0x38;
	[tilespmem:$0x4200] =	vst v63  }
0x54: {  	s16 =	sadd.s32 $0x40, s16;
	s18 =	simm.s32 @!p0 $0x0;
	s20 =	simm.s32 @!p0 $0x80  }
0x55: {  	[tilespmem:s20], [sflag:$0x1] =	stream.linear.gather @!p0 [hbm4b:s25+s18], $0x80, $0x38;
	[tilespmem:$0x4200] =	vst v63  }
0x56: {  	s14 =	simm.s32 @!p3 $0x4  }
0x57: {  	[tilespmem:s19], [sflag:$0x1] =	stream.linear.gather @!p0 [hbm4b:s21+s18], $0x80, $0x38;
	[tilespmem:$0x4200] =	vst v63  }
0x58: {  	_ =	swait.ge @!p3 [sflag:s14], $0x2000  }
0x59: {  	[sflag:s14] =	ssyncset.done @!p3 $0x0  }
0x5a: {  	s15 =	simm.s32 @!p0 $0x1;
	[sflag:s14] =	ssyncadd.s32 @!p3 $0xFFFFE000  }
0x5b: {  	_ =	swait.ge @!p0 [sflag:s15], $0x80  }
0x5c: {  	[sflag:s15] =	ssyncset.done @!p0 $0x0  }
0x5d: {  	[sflag:s15] =	ssyncadd.s32 @!p0 $0xFFFFFF80  }
0x5e: {  	_ =	swait.ge @!p0 [sflag:s15], $0x80  }
0x5f: {  	[sflag:s15] =	ssyncset.done @!p0 $0x0  }
0x60: {  	s14 =	simm.s32 @!p0 $0x2200;
	[sflag:s15] =	ssyncadd.s32 @!p0 $0xFFFFFF80;
	s15 =	simm.s32 @!p0 $0x2  }
0x61: {  	[tilespmem:s14], [sflag:$0x2] =	stream.indirect.gather @!p0 [hbm4b:s3+s20], $0x40, s20, s20, $0xb8;
	[tilespmem:$0x4200] =	vst v63  }
0x62: {  	_ =	swait.ge @!p0 [sflag:s15], $0x2000  }
0x63: {  	[sflag:s15] =	ssyncset.done @!p0 $0x0  }
0x64: {  	[sflag:s15] =	ssyncadd.s32 @!p0 $0xFFFFE000  }
0x65: {  	[tilespmem:s14], [sflag:$0x2] =	stream.indirect.gather.add.f32 @!p0 [hbm:s4], $0x40, s19, s20, $0xb8;
	[tilespmem:$0x4200] =	vst v63  }
0x66: {  	_ =	swait.ge @!p0 [sflag:s15], $0x2000  }
0x67: {  	[sflag:s15] =	ssyncset.done @!p0 $0x0  }
0x68: {  	s1 =	sadd.s32 $0x1, s1;
	[sflag:s15] =	ssyncadd.s32 @!p0 $0xFFFFE000  }
0x69: {  	[hbm4b:s13+s18] =	stream.linear.scatter @!p0 [tilespmem:s14], [sflag:$0x4], $0x2000, $0x38;
	[tilespmem:$0x4200] =	vst v63  }
0x6a: {  	p0 =	sne.s32 s1, s6;
	_ =	swait.ge [sflag:s11], $0x2000  }
.Ltmp1:
0x6b: {  	[sflag:s11] =	ssyncset.done $0x0;
	(pc) =	sbr.rel @p0 .LBB2_1-.Ltmp1, $4  }
0x6c: {  	[sflag:s11] =	ssyncadd.s32 $0xFFFFE000  }
0x6d: {  	_ =	swait.ge [sflag:s12], $0x2000  }
0x6e: {  	[sflag:s12] =	ssyncset.done $0x0  }
0x6f: {  	[sflag:s12] =	ssyncadd.s32 $0xFFFFE000  }
0x70: {  	_ =	sfence.sel $0x180000  }
0x71: {  	[bflag:$0x0] =	sbarrier.arrive $0xFFFF  }
0x72: {  	p0 =	sne.s32 s2, $0x0;
	_ =	strace $0x90000047  }
0x73: {  	s0 =	sadd.s32 @!p0 $0x100000, s0;
	[bflag:$0x2] =	sbarrier.arrive $0xFFFF  }
0x74: {  	[sflag:s0] =	ssyncadd.tile.s32 @!p0 $0x1;
	_ =	shalt  }
.Lfunc_end2:
_tile_overlayer_lowered:
.L_overlay_start_2:
0x75: {  	(tag) =	ssettag $0x2  }
0x76: {  	s0 =	rddreg [dreg:$0x0];
	s2 =	stileid.u32  }
0x77: {  	s1 =	rddreg [dreg:$0x1];
	p0 =	sne.s32 s2, $0x0  }
0x78: {  	s3 =	rddreg [dreg:$0x2];
	[bflag:$0x3] =	sbarrier.arrive $0xFFFF;
	s2 =	simm.s32 @!p0 $0x1C05  }
0x79: {  	[timem:s3], [sflag:s2] =	dma.local @!p0 [hbm:s0], s1  }
0x7a: {  	s0 =	simm.s32 @!p0 $0x5  }
0x7b: {  	_ =	swait.ge @!p0 [sflag:s0], s1  }
0x7c: {  	s1 =	ssub.s32 @!p0 $0x0, s1;
	[sflag:s0] =	ssyncset.done @!p0 $0x0  }
0x7d: {  	[sflag:s0] =	ssyncadd.s32 @!p0 s1  }
0x7e: {  	[bflag:$0x3] =	sbarrier.arrive $0xFFFF  }
0x7f: {  	_ =	shalt  }

</sc_bundles>
